<compile_context>
chip_gen: v7x
topology: tpu7x:2x2x1
jax: 0.10.2.dev20260603
libtpu: 0.0.44.dev20260713+nightly
codegen_flags: <defaults>
</compile_context>

<pallas_src>
import jax
import jax.numpy as jnp
from jax import lax
from jax.experimental import pallas as pl
from jax.experimental.pallas import tpu as pltpu
from jax.experimental.pallas import tpu_sc as plsc

N_ATOMS_P = 100000
N_PAIRS_P = 3200000
N_FRAMES = 1024
NW = 32
PAIRS_PER_W = N_PAIRS_P // NW
CHUNK = 800
N_CHUNKS = PAIRS_PER_W // CHUNK
GROUPS = CHUNK // 16


def _lj_energy(sx, sy, sz, se, ss, dx_, dy_, dz_, de, ds_):
    ddx = sx - dx_
    ddy = sy - dy_
    ddz = sz - dz_
    r2 = ddx * ddx + ddy * ddy + ddz * ddz + 1e-12
    m = jnp.maximum(r2, 0.25)
    t = se * de + 1e-12
    i = plsc.bitcast(t, jnp.int32)
    i = jnp.int32(0x5F3759DF) - lax.shift_right_logical(i, 1)
    y = plsc.bitcast(i, jnp.float32)
    y = y * (1.5 - 0.5 * t * y * y)
    y = y * (1.5 - 0.5 * t * y * y)
    y = y * (1.5 - 0.5 * t * y * y)
    eps = t * y
    sig = 0.5 * (ss + ds_)
    sig2 = sig * sig
    sig6 = sig2 * sig2 * sig2
    m3 = m * m * m
    sr6 = sig6 / m3
    return 4.0 * eps * (sr6 * sr6 - sr6)


def _sc_body(table_hbm, src_hbm, dst_hbm, frames_hbm, out_hbm,
             idx_src0, idx_src1, idx_dst0, idx_dst1, frames_v0, frames_v1,
             rows_src0, rows_src1, rows_dst0, rows_dst1,
             acc, acc_red, idx64, shared_acc, table_sh, sem, sem2,
             sem_i0, sem_i1, sem_f0, sem_f1):
    cid = lax.axis_index("c")
    sid = lax.axis_index("s")
    wid = sid * 2 + cid
    idx_src = (idx_src0, idx_src1)
    idx_dst = (idx_dst0, idx_dst1)
    frames_v = (frames_v0, frames_v1)
    rows_src = (rows_src0, rows_src1)
    rows_dst = (rows_dst0, rows_dst1)
    sems = (sem, sem2)
    sems_i = (sem_i0, sem_i1)
    sems_f = (sem_f0, sem_f1)
    pair_base = wid * PAIRS_PER_W

    rows_per_tile = N_ATOMS_P // 16
    pltpu.sync_copy(table_hbm.at[pl.ds(sid * rows_per_tile, rows_per_tile)],
                    table_sh.at[pl.ds(sid * rows_per_tile, rows_per_tile)])

    zero16 = jnp.zeros((16,), jnp.float32)
    lane = lax.iota(jnp.int32, 16)

    def _zero(j, _):
        acc_red[j] = zero16
        for r in range(16):
            acc[r, pl.ds(j * 16, 16)] = zero16
        return 0
    lax.fori_loop(0, 64, _zero, 0)
    for j in range(4):
        idx64[pl.ds(j * 16, 16)] = lane + j * 16

    @pl.when(sid == 0)
    def _():
        pltpu.sync_copy(acc_red, shared_acc)
    plsc.subcore_barrier()

    f0 = jnp.zeros((16,), jnp.int32)
    f1 = f0 + 1
    f2 = f0 + 2
    f3 = f0 + 3
    f4 = f0 + 4

    def load_idx(c, b):
        pb = pair_base + c * CHUNK
        pltpu.async_copy(src_hbm.at[pl.ds(pb, CHUNK)], idx_src[b], sems_i[b])
        pltpu.async_copy(dst_hbm.at[pl.ds(pb, CHUNK)], idx_dst[b], sems_i[b])

    def wait_idx(c, b):
        pb = pair_base + c * CHUNK
        pltpu.make_async_copy(src_hbm.at[pl.ds(pb, CHUNK)], idx_src[b],
                              sems_i[b]).wait()
        pltpu.make_async_copy(dst_hbm.at[pl.ds(pb, CHUNK)], idx_dst[b],
                              sems_i[b]).wait()

    def load_frames(c, b):
        pb = pair_base + c * CHUNK
        pltpu.async_copy(frames_hbm.at[pl.ds(pb, CHUNK)], frames_v[b],
                         sems_f[b])

    def wait_frames(c, b):
        pb = pair_base + c * CHUNK
        pltpu.make_async_copy(frames_hbm.at[pl.ds(pb, CHUNK)], frames_v[b],
                              sems_f[b]).wait()

    def issue_gathers(b):
        pltpu.async_copy(table_sh.at[idx_src[b]], rows_src[b], sems[b])
        pltpu.async_copy(table_sh.at[idx_dst[b]], rows_dst[b], sems[b])

    def wait_gathers(b):
        pltpu.make_async_copy(table_sh.at[idx_src[b]], rows_src[b],
                              sems[b]).wait()
        pltpu.make_async_copy(table_sh.at[idx_dst[b]], rows_dst[b],
                              sems[b]).wait()

    def compute(b):
        rs, rd, fv = rows_src[b], rows_dst[b], frames_v[b]

        def group_body(g, _):
            r = g * 16 + lane
            fr = fv[pl.ds(g * 16, 16)]
            sx = plsc.load_gather(rs, [r, f0])
            sy = plsc.load_gather(rs, [r, f1])
            sz = plsc.load_gather(rs, [r, f2])
            se = plsc.load_gather(rs, [r, f3])
            ss = plsc.load_gather(rs, [r, f4])
            dx_ = plsc.load_gather(rd, [r, f0])
            dy_ = plsc.load_gather(rd, [r, f1])
            dz_ = plsc.load_gather(rd, [r, f2])
            de = plsc.load_gather(rd, [r, f3])
            ds_ = plsc.load_gather(rd, [r, f4])
            e = _lj_energy(sx, sy, sz, se, ss, dx_, dy_, dz_, de, ds_)
            plsc.addupdate_scatter(acc, [lane, fr], e)
            return 0
        lax.fori_loop(0, GROUPS, group_body, 0)

    load_idx(0, 0)
    load_frames(0, 0)
    wait_idx(0, 0)
    issue_gathers(0)
    load_idx(1, 1)
    load_frames(1, 1)
    wait_idx(1, 1)
    issue_gathers(1)

    def pipe_body(t, _):
        c0 = t * 2
        wait_gathers(0)
        load_idx(c0 + 2, 0)
        wait_frames(c0, 0)
        compute(0)
        load_frames(c0 + 2, 0)
        wait_idx(c0 + 2, 0)
        issue_gathers(0)
        wait_gathers(1)
        load_idx(c0 + 3, 1)
        wait_frames(c0 + 1, 1)
        compute(1)
        load_frames(c0 + 3, 1)
        wait_idx(c0 + 3, 1)
        issue_gathers(1)
        return 0
    lax.fori_loop(0, (N_CHUNKS - 3) // 2, pipe_body, 0)

    cL = N_CHUNKS - 1
    wait_gathers(0)
    load_idx(cL, 0)
    wait_frames(cL - 2, 0)
    compute(0)
    load_frames(cL, 0)
    wait_idx(cL, 0)
    issue_gathers(0)
    wait_gathers(1)
    wait_frames(cL - 1, 1)
    compute(1)
    wait_gathers(0)
    wait_frames(cL, 0)
    compute(0)

    def _red(j, _):
        s = acc[0, pl.ds(j * 16, 16)]
        for r in range(1, 16):
            s = s + acc[r, pl.ds(j * 16, 16)]
        acc_red[j] = s
        return 0
    lax.fori_loop(0, 64, _red, 0)

    pltpu.sync_copy(acc_red, shared_acc.at[idx64], add=True)
    plsc.subcore_barrier()

    @pl.when(sid == 0)
    def _():
        pltpu.sync_copy(shared_acc, out_hbm.at[cid])


@jax.jit
def _run(table, src1d, dst1d, frames1d):
    mesh = plsc.VectorSubcoreMesh(core_axis_name="c", subcore_axis_name="s")
    kern = pl.kernel(
        _sc_body,
        out_type=jax.ShapeDtypeStruct((2, 64, 16), jnp.float32),
        mesh=mesh,
        scratch_types=[
            pltpu.VMEM((CHUNK,), jnp.int32),
            pltpu.VMEM((CHUNK,), jnp.int32),
            pltpu.VMEM((CHUNK,), jnp.int32),
            pltpu.VMEM((CHUNK,), jnp.int32),
            pltpu.VMEM((CHUNK,), jnp.int32),
            pltpu.VMEM((CHUNK,), jnp.int32),
            pltpu.VMEM((CHUNK, 8), jnp.float32),
            pltpu.VMEM((CHUNK, 8), jnp.float32),
            pltpu.VMEM((CHUNK, 8), jnp.float32),
            pltpu.VMEM((CHUNK, 8), jnp.float32),
            pltpu.VMEM((16, N_FRAMES), jnp.float32),
            pltpu.VMEM((64, 16), jnp.float32),
            pltpu.VMEM((64,), jnp.int32),
            pltpu.VMEM_SHARED((64, 16), jnp.float32),
            pltpu.VMEM_SHARED((N_ATOMS_P, 8), jnp.float32),
            pltpu.SemaphoreType.DMA,
            pltpu.SemaphoreType.DMA,
            pltpu.SemaphoreType.DMA,
            pltpu.SemaphoreType.DMA,
            pltpu.SemaphoreType.DMA,
            pltpu.SemaphoreType.DMA,
        ],
        compiler_params=pltpu.CompilerParams(
            needs_layout_passes=False, use_tc_tiling_on_sc=False),
    )
    return kern(table, src1d, dst1d, frames1d)


def kernel(positions, atom_params, pair_index, frames, batch_size):
    n = positions.shape[0]
    table = jnp.concatenate(
        [positions, atom_params, jnp.zeros((n, 3), jnp.float32)], axis=1)
    out = _run(table, pair_index[0], pair_index[1],
               frames.astype(jnp.int32))
    return out.reshape(2, N_FRAMES).sum(axis=0)

# --- scband reference (transcript-rebuilt; emitter-appended) ---
"""Pipeline reference for scband-interacting-sites-20469814133140 (READ-ONLY COPY).

The authoritative reference and input builder live on the scoring server;
editing this copy changes nothing except your own understanding.
"""

import jax, jax.numpy as jnp
import numpy as np

N_ATOMS = 100000
N_PAIRS = 3200000
BATCH = 1024


def setup_inputs(seed: int = 0) -> dict:
    key = jax.random.key(seed)
    k1, k2, k3, k4 = jax.random.split(key, 4)
    positions = jax.random.normal(k1, (N_ATOMS, 3), dtype=jnp.float32) * 5.0
    atom_params = jax.random.uniform(k2, (N_ATOMS, 2), dtype=jnp.float32)
    pair_index = jax.random.randint(k3, (2, N_PAIRS), 0, N_ATOMS)
    frames = jnp.sort(jax.random.randint(k4, (N_PAIRS,), 0, BATCH))
    return {
        "positions": positions,
        "atom_params": atom_params,
        "pair_index": pair_index,
        "frames": frames,
        "batch_size": BATCH,
    }


def reference(positions, atom_params, pair_index, frames, batch_size):
    # sites(batch): yields per-atom positions and per-atom parameters (identity sites).
    # get_pairs: gather endpoints of each pair, compute distances, combine parameters,
    # and carry the frame (graph/molecule) index of each pair.
    src = pair_index[0]
    dst = pair_index[1]
    diff = positions[src] - positions[dst]
    distances = jnp.sqrt(jnp.sum(diff * diff, axis=-1) + 1e-12)
    distances = jnp.maximum(distances, 0.5)
    p_src = atom_params[src]
    p_dst = atom_params[dst]
    # Lorentz-Berthelot combining rules -> per-pair parameters
    eps = jnp.sqrt(p_src[:, 0] * p_dst[:, 0] + 1e-12)
    sigma = 0.5 * (p_src[:, 1] + p_dst[:, 1])
    # pair_energy(distances, parameters): Lennard-Jones 12-6
    sr6 = (sigma / distances) ** 6
    pair_energies = 4.0 * eps * (sr6 * sr6 - sr6)
    # scatter(pair_energies, frames, dim_size=batch_size) -> per-frame total energy
    energy = jax.ops.segment_sum(pair_energies, frames, num_segments=BATCH)
    energy = energy + jnp.asarray(0.0, dtype=energy.dtype) * jnp.asarray(batch_size, dtype=energy.dtype)
    return energy

if __name__ == "__main__":
    import jax
    _d = setup_inputs()
    print(jax.jit(kernel)(*tuple(_d.values())))

</pallas_src>

<mosaic_0001>
#map = affine_map<(d0, d1) -> (0, 0)>
#map1 = affine_map<(d0, d1) -> (0)>
#map2 = affine_map<(d0, d1) -> (0, 0, 0)>
module attributes {stable_mosaic.version = 14 : i64} {
  func.func @_sc_body(%arg0: i32, %arg1: i32, %arg2: memref<100000x8xf32, #tpu.memory_space<hbm>>, %arg3: memref<3200000xi32, #tpu.memory_space<hbm>>, %arg4: memref<3200000xi32, #tpu.memory_space<hbm>>, %arg5: memref<3200000xi32, #tpu.memory_space<hbm>>, %arg6: memref<2x64x16xf32, #tpu.memory_space<hbm>>, %arg7: memref<800xi32, #tpu.memory_space<vmem>>, %arg8: memref<800xi32, #tpu.memory_space<vmem>>, %arg9: memref<800xi32, #tpu.memory_space<vmem>>, %arg10: memref<800xi32, #tpu.memory_space<vmem>>, %arg11: memref<800xi32, #tpu.memory_space<vmem>>, %arg12: memref<800xi32, #tpu.memory_space<vmem>>, %arg13: memref<800x8xf32, #tpu.memory_space<vmem>>, %arg14: memref<800x8xf32, #tpu.memory_space<vmem>>, %arg15: memref<800x8xf32, #tpu.memory_space<vmem>>, %arg16: memref<800x8xf32, #tpu.memory_space<vmem>>, %arg17: memref<16x1024xf32, #tpu.memory_space<vmem>>, %arg18: memref<64x16xf32, #tpu.memory_space<vmem>>, %arg19: memref<64xi32, #tpu.memory_space<vmem>>, %arg20: memref<64x16xf32, #tpu.memory_space<vmem_shared>>, %arg21: memref<100000x8xf32, #tpu.memory_space<vmem_shared>>, %arg22: memref<!tpu.dma_semaphore, #tpu.memory_space<semaphore_mem>>, %arg23: memref<!tpu.dma_semaphore, #tpu.memory_space<semaphore_mem>>, %arg24: memref<!tpu.dma_semaphore, #tpu.memory_space<semaphore_mem>>, %arg25: memref<!tpu.dma_semaphore, #tpu.memory_space<semaphore_mem>>, %arg26: memref<!tpu.dma_semaphore, #tpu.memory_space<semaphore_mem>>, %arg27: memref<!tpu.dma_semaphore, #tpu.memory_space<semaphore_mem>>) attributes {dimension_semantics = [#tpu.dimension_semantics<core_parallel>, #tpu.dimension_semantics<subcore_parallel>], iteration_bounds = array<i64: 2, 16>, scalar_prefetch = 0 : i64, scratch_operands = 21 : i64, tpu.core_type = #tpu.core_type<sc_vector_subcore>, window_params = [{transform_indices = #map}, {transform_indices = #map1}, {transform_indices = #map1}, {transform_indices = #map1}, {transform_indices = #map2}]} {
    %mul3A = arith.constant 2 : i32
    %mul3A_0 = arith.muli %arg1, %mul3A : i32
    %add3A = arith.addi %mul3A_0, %arg0 : i32
    %mul3A_1 = arith.constant 100000 : i32
    %mul3A_2 = arith.muli %add3A, %mul3A_1 : i32
    %mul3A_3 = arith.constant 6250 : i32
    %mul3A_4 = arith.muli %arg1, %mul3A_3 : i32
    %mul3A_5 = arith.constant 6250 : i32
    %mul3A_6 = arith.muli %arg1, %mul3A_5 : i32
    "tpu.region"() ({
      %run_scoped3A = tpu.sem_alloc : memref<!tpu.dma_semaphore, #tpu.memory_space<semaphore_mem>>
      %dma_start3A_184 = arith.constant 0 : i32
      %dma_start3A_185 = tpu.memref_slice %arg21[%mul3A_6, %dma_start3A_184] : memref<100000x8xf32, #tpu.memory_space<vmem_shared>> -> memref<6250x8xf32, #tpu.memory_space<vmem_shared>>
      %dma_start3A_186 = arith.constant 0 : i32
      %dma_start3A_187 = tpu.memref_slice %arg2[%mul3A_4, %dma_start3A_186] : memref<100000x8xf32, #tpu.memory_space<hbm>> -> memref<6250x8xf32, #tpu.memory_space<hbm>>
      tpu.enqueue_dma source(%dma_start3A_187 : memref<6250x8xf32, #tpu.memory_space<hbm>>) target(%dma_start3A_185 : memref<6250x8xf32, #tpu.memory_space<vmem_shared>>) target_semaphore(%run_scoped3A : memref<!tpu.dma_semaphore, #tpu.memory_space<semaphore_mem>>)
      %dma_wait3A_188 = arith.constant 0 : i32
      %dma_wait3A_189 = tpu.memref_slice %arg21[%mul3A_6, %dma_wait3A_188] : memref<100000x8xf32, #tpu.memory_space<vmem_shared>> -> memref<6250x8xf32, #tpu.memory_space<vmem_shared>>
      %dma_wait3A_190 = arith.constant 0 : i32
      %dma_wait3A_191 = tpu.memref_slice %arg2[%mul3A_4, %dma_wait3A_190] : memref<100000x8xf32, #tpu.memory_space<hbm>> -> memref<6250x8xf32, #tpu.memory_space<hbm>>
      tpu.wait_dma2 semaphore(%run_scoped3A : memref<!tpu.dma_semaphore, #tpu.memory_space<semaphore_mem>>) src(%dma_wait3A_191 : memref<6250x8xf32, #tpu.memory_space<hbm>>) dst(%dma_wait3A_189 : memref<6250x8xf32, #tpu.memory_space<vmem_shared>>)
      tpu.yield
    }) : () -> ()
    %broadcast_in_dim3A = arith.constant 0.000000e+00 : f32
    %broadcast_in_dim3A_7 = vector.broadcast %broadcast_in_dim3A : f32 to vector<16xf32>
    %iota3A = tpu.iota {dimensions = array<i32: 0>} : vector<16xi32>
    %scan3A = arith.constant 0 : i32
    %scan3A_8 = arith.constant 0 : i32
    %scan3A_9 = arith.constant 64 : i32
    %scan3A_10 = arith.addi %scan3A_8, %scan3A_9 : i32
    %scan3A_11 = arith.constant 1 : i32
    %scan3A_12 = scf.for %scan3A_184 = %scan3A_8 to %scan3A_10 step %scan3A_11 iter_args(%scan3A_185 = %scan3A) -> (i32)  : i32 {
      %swap3A_186 = arith.index_cast %scan3A_184 : i32 to index
      %swap3A_187 = arith.constant 0 : index
      %swap3A_188 = tpu.vector_load %arg18[%swap3A_186, %swap3A_187] {strides = array<i32>} : memref<64x16xf32, #tpu.memory_space<vmem>>, vector<16xf32>,
      tpu.vector_store %arg18[%swap3A_186, %swap3A_187], %broadcast_in_dim3A_7 {strides = array<i32>} : memref<64x16xf32, #tpu.memory_space<vmem>>, vector<16xf32>,
      %mul3A_189 = arith.constant 16 : i32
      %mul3A_190 = arith.muli %scan3A_184, %mul3A_189 : i32
      %swap3A_191 = arith.constant 0 : i32
      %swap3A_192 = arith.index_cast %swap3A_191 : i32 to index
      %swap3A_193 = arith.index_cast %mul3A_190 : i32 to index
      %swap3A_194 = tpu.vector_load %arg17[%swap3A_192, %swap3A_193] {strides = array<i32>} : memref<16x1024xf32, #tpu.memory_space<vmem>>, vector<16xf32>,
      tpu.vector_store %arg17[%swap3A_192, %swap3A_193], %broadcast_in_dim3A_7 {strides = array<i32>} : memref<16x1024xf32, #tpu.memory_space<vmem>>, vector<16xf32>,
      %mul3A_195 = arith.constant 16 : i32
      %mul3A_196 = arith.muli %scan3A_184, %mul3A_195 : i32
      %swap3A_197 = arith.constant 1 : i32
      %swap3A_198 = arith.index_cast %swap3A_197 : i32 to index
      %swap3A_199 = arith.index_cast %mul3A_196 : i32 to index
      %swap3A_200 = tpu.vector_load %arg17[%swap3A_198, %swap3A_199] {strides = array<i32>} : memref<16x1024xf32, #tpu.memory_space<vmem>>, vector<16xf32>,
      tpu.vector_store %arg17[%swap3A_198, %swap3A_199], %broadcast_in_dim3A_7 {strides = array<i32>} : memref<16x1024xf32, #tpu.memory_space<vmem>>, vector<16xf32>,
      %mul3A_201 = arith.constant 16 : i32
      %mul3A_202 = arith.muli %scan3A_184, %mul3A_201 : i32
      %swap3A_203 = arith.constant 2 : i32
      %swap3A_204 = arith.index_cast %swap3A_203 : i32 to index
      %swap3A_205 = arith.index_cast %mul3A_202 : i32 to index
      %swap3A_206 = tpu.vector_load %arg17[%swap3A_204, %swap3A_205] {strides = array<i32>} : memref<16x1024xf32, #tpu.memory_space<vmem>>, vector<16xf32>,
      tpu.vector_store %arg17[%swap3A_204, %swap3A_205], %broadcast_in_dim3A_7 {strides = array<i32>} : memref<16x1024xf32, #tpu.memory_space<vmem>>, vector<16xf32>,
      %mul3A_207 = arith.constant 16 : i32
      %mul3A_208 = arith.muli %scan3A_184, %mul3A_207 : i32
      %swap3A_209 = arith.constant 3 : i32
      %swap3A_210 = arith.index_cast %swap3A_209 : i32 to index
      %swap3A_211 = arith.index_cast %mul3A_208 : i32 to index
      %swap3A_212 = tpu.vector_load %arg17[%swap3A_210, %swap3A_211] {strides = array<i32>} : memref<16x1024xf32, #tpu.memory_space<vmem>>, vector<16xf32>,
      tpu.vector_store %arg17[%swap3A_210, %swap3A_211], %broadcast_in_dim3A_7 {strides = array<i32>} : memref<16x1024xf32, #tpu.memory_space<vmem>>, vector<16xf32>,
      %mul3A_213 = arith.constant 16 : i32
      %mul3A_214 = arith.muli %scan3A_184, %mul3A_213 : i32
      %swap3A_215 = arith.constant 4 : i32
      %swap3A_216 = arith.index_cast %swap3A_215 : i32 to index
      %swap3A_217 = arith.index_cast %mul3A_214 : i32 to index
      %swap3A_218 = tpu.vector_load %arg17[%swap3A_216, %swap3A_217] {strides = array<i32>} : memref<16x1024xf32, #tpu.memory_space<vmem>>, vector<16xf32>,
      tpu.vector_store %arg17[%swap3A_216, %swap3A_217], %broadcast_in_dim3A_7 {strides = array<i32>} : memref<16x1024xf32, #tpu.memory_space<vmem>>, vector<16xf32>,
      %mul3A_219 = arith.constant 16 : i32
      %mul3A_220 = arith.muli %scan3A_184, %mul3A_219 : i32
      %swap3A_221 = arith.constant 5 : i32
      %swap3A_222 = arith.index_cast %swap3A_221 : i32 to index
      %swap3A_223 = arith.index_cast %mul3A_220 : i32 to index
      %swap3A_224 = tpu.vector_load %arg17[%swap3A_222, %swap3A_223] {strides = array<i32>} : memref<16x1024xf32, #tpu.memory_space<vmem>>, vector<16xf32>,
      tpu.vector_store %arg17[%swap3A_222, %swap3A_223], %broadcast_in_dim3A_7 {strides = array<i32>} : memref<16x1024xf32, #tpu.memory_space<vmem>>, vector<16xf32>,
      %mul3A_225 = arith.constant 16 : i32
      %mul3A_226 = arith.muli %scan3A_184, %mul3A_225 : i32
      %swap3A_227 = arith.constant 6 : i32
      %swap3A_228 = arith.index_cast %swap3A_227 : i32 to index
      %swap3A_229 = arith.index_cast %mul3A_226 : i32 to index
      %swap3A_230 = tpu.vector_load %arg17[%swap3A_228, %swap3A_229] {strides = array<i32>} : memref<16x1024xf32, #tpu.memory_space<vmem>>, vector<16xf32>,
      tpu.vector_store %arg17[%swap3A_228, %swap3A_229], %broadcast_in_dim3A_7 {strides = array<i32>} : memref<16x1024xf32, #tpu.memory_space<vmem>>, vector<16xf32>,
      %mul3A_231 = arith.constant 16 : i32
      %mul3A_232 = arith.muli %scan3A_184, %mul3A_231 : i32
      %swap3A_233 = arith.constant 7 : i32
      %swap3A_234 = arith.index_cast %swap3A_233 : i32 to index
      %swap3A_235 = arith.index_cast %mul3A_232 : i32 to index
      %swap3A_236 = tpu.vector_load %arg17[%swap3A_234, %swap3A_235] {strides = array<i32>} : memref<16x1024xf32, #tpu.memory_space<vmem>>, vector<16xf32>,
      tpu.vector_store %arg17[%swap3A_234, %swap3A_235], %broadcast_in_dim3A_7 {strides = array<i32>} : memref<16x1024xf32, #tpu.memory_space<vmem>>, vector<16xf32>,
      %mul3A_237 = arith.constant 16 : i32
      %mul3A_238 = arith.muli %scan3A_184, %mul3A_237 : i32
      %swap3A_239 = arith.constant 8 : i32
      %swap3A_240 = arith.index_cast %swap3A_239 : i32 to index
      %swap3A_241 = arith.index_cast %mul3A_238 : i32 to index
      %swap3A_242 = tpu.vector_load %arg17[%swap3A_240, %swap3A_241] {strides = array<i32>} : memref<16x1024xf32, #tpu.memory_space<vmem>>, vector<16xf32>,
      tpu.vector_store %arg17[%swap3A_240, %swap3A_241], %broadcast_in_dim3A_7 {strides = array<i32>} : memref<16x1024xf32, #tpu.memory_space<vmem>>, vector<16xf32>,
      %mul3A_243 = arith.constant 16 : i32
      %mul3A_244 = arith.muli %scan3A_184, %mul3A_243 : i32
      %swap3A_245 = arith.constant 9 : i32
      %swap3A_246 = arith.index_cast %swap3A_245 : i32 to index
      %swap3A_247 = arith.index_cast %mul3A_244 : i32 to index
      %swap3A_248 = tpu.vector_load %arg17[%swap3A_246, %swap3A_247] {strides = array<i32>} : memref<16x1024xf32, #tpu.memory_space<vmem>>, vector<16xf32>,
      tpu.vector_store %arg17[%swap3A_246, %swap3A_247], %broadcast_in_dim3A_7 {strides = array<i32>} : memref<16x1024xf32, #tpu.memory_space<vmem>>, vector<16xf32>,
      %mul3A_249 = arith.constant 16 : i32
      %mul3A_250 = arith.muli %scan3A_184, %mul3A_249 : i32
      %swap3A_251 = arith.constant 10 : i32
      %swap3A_252 = arith.index_cast %swap3A_251 : i32 to index
      %swap3A_253 = arith.index_cast %mul3A_250 : i32 to index
      %swap3A_254 = tpu.vector_load %arg17[%swap3A_252, %swap3A_253] {strides = array<i32>} : memref<16x1024xf32, #tpu.memory_space<vmem>>, vector<16xf32>,
      tpu.vector_store %arg17[%swap3A_252, %swap3A_253], %broadcast_in_dim3A_7 {strides = array<i32>} : memref<16x1024xf32, #tpu.memory_space<vmem>>, vector<16xf32>,
      %mul3A_255 = arith.constant 16 : i32
      %mul3A_256 = arith.muli %scan3A_184, %mul3A_255 : i32
      %swap3A_257 = arith.constant 11 : i32
      %swap3A_258 = arith.index_cast %swap3A_257 : i32 to index
      %swap3A_259 = arith.index_cast %mul3A_256 : i32 to index
      %swap3A_260 = tpu.vector_load %arg17[%swap3A_258, %swap3A_259] {strides = array<i32>} : memref<16x1024xf32, #tpu.memory_space<vmem>>, vector<16xf32>,
      tpu.vector_store %arg17[%swap3A_258, %swap3A_259], %broadcast_in_dim3A_7 {strides = array<i32>} : memref<16x1024xf32, #tpu.memory_space<vmem>>, vector<16xf32>,
      %mul3A_261 = arith.constant 16 : i32
      %mul3A_262 = arith.muli %scan3A_184, %mul3A_261 : i32
      %swap3A_263 = arith.constant 12 : i32
      %swap3A_264 = arith.index_cast %swap3A_263 : i32 to index
      %swap3A_265 = arith.index_cast %mul3A_262 : i32 to index
      %swap3A_266 = tpu.vector_load %arg17[%swap3A_264, %swap3A_265] {strides = array<i32>} : memref<16x1024xf32, #tpu.memory_space<vmem>>, vector<16xf32>,
      tpu.vector_store %arg17[%swap3A_264, %swap3A_265], %broadcast_in_dim3A_7 {strides = array<i32>} : memref<16x1024xf32, #tpu.memory_space<vmem>>, vector<16xf32>,
      %mul3A_267 = arith.constant 16 : i32
      %mul3A_268 = arith.muli %scan3A_184, %mul3A_267 : i32
      %swap3A_269 = arith.constant 13 : i32
      %swap3A_270 = arith.index_cast %swap3A_269 : i32 to index
      %swap3A_271 = arith.index_cast %mul3A_268 : i32 to index
      %swap3A_272 = tpu.vector_load %arg17[%swap3A_270, %swap3A_271] {strides = array<i32>} : memref<16x1024xf32, #tpu.memory_space<vmem>>, vector<16xf32>,
      tpu.vector_store %arg17[%swap3A_270, %swap3A_271], %broadcast_in_dim3A_7 {strides = array<i32>} : memref<16x1024xf32, #tpu.memory_space<vmem>>, vector<16xf32>,
      %mul3A_273 = arith.constant 16 : i32
      %mul3A_274 = arith.muli %scan3A_184, %mul3A_273 : i32
      %swap3A_275 = arith.constant 14 : i32
      %swap3A_276 = arith.index_cast %swap3A_275 : i32 to index
      %swap3A_277 = arith.index_cast %mul3A_274 : i32 to index
      %swap3A_278 = tpu.vector_load %arg17[%swap3A_276, %swap3A_277] {strides = array<i32>} : memref<16x1024xf32, #tpu.memory_space<vmem>>, vector<16xf32>,
      tpu.vector_store %arg17[%swap3A_276, %swap3A_277], %broadcast_in_dim3A_7 {strides = array<i32>} : memref<16x1024xf32, #tpu.memory_space<vmem>>, vector<16xf32>,
      %mul3A_279 = arith.constant 16 : i32
      %mul3A_280 = arith.muli %scan3A_184, %mul3A_279 : i32
      %swap3A_281 = arith.constant 15 : i32
      %swap3A_282 = arith.index_cast %swap3A_281 : i32 to index
      %swap3A_283 = arith.index_cast %mul3A_280 : i32 to index
      %swap3A_284 = tpu.vector_load %arg17[%swap3A_282, %swap3A_283] {strides = array<i32>} : memref<16x1024xf32, #tpu.memory_space<vmem>>, vector<16xf32>,
      tpu.vector_store %arg17[%swap3A_282, %swap3A_283], %broadcast_in_dim3A_7 {strides = array<i32>} : memref<16x1024xf32, #tpu.memory_space<vmem>>, vector<16xf32>,
      %scan3A_285 = arith.constant 0 : i32
      scf.yield %scan3A_285 : i32
    }
    %scan3A_13 = arith.constant 64 : i32
    %add3A_14 = arith.constant 0 : i32
    %add3A_15 = vector.broadcast %add3A_14 : i32 to vector<16xi32>
    %add3A_16 = arith.addi %iota3A, %add3A_15 : vector<16xi32>
    %swap3A = arith.constant 0 : index
    %swap3A_17 = tpu.vector_load %arg19[%swap3A] {strides = array<i32>} : memref<64xi32, #tpu.memory_space<vmem>>, vector<16xi32>,
    tpu.vector_store %arg19[%swap3A], %add3A_16 {strides = array<i32>} : memref<64xi32, #tpu.memory_space<vmem>>, vector<16xi32>,
    %add3A_18 = arith.constant 16 : i32
    %add3A_19 = vector.broadcast %add3A_18 : i32 to vector<16xi32>
    %add3A_20 = arith.addi %iota3A, %add3A_19 : vector<16xi32>
    %swap3A_21 = arith.constant 16 : index
    %swap3A_22 = tpu.vector_load %arg19[%swap3A_21] {strides = array<i32>} : memref<64xi32, #tpu.memory_space<vmem>>, vector<16xi32>,
    tpu.vector_store %arg19[%swap3A_21], %add3A_20 {strides = array<i32>} : memref<64xi32, #tpu.memory_space<vmem>>, vector<16xi32>,
    %add3A_23 = arith.constant 32 : i32
    %add3A_24 = vector.broadcast %add3A_23 : i32 to vector<16xi32>
    %add3A_25 = arith.addi %iota3A, %add3A_24 : vector<16xi32>
    %swap3A_26 = arith.constant 32 : index
    %swap3A_27 = tpu.vector_load %arg19[%swap3A_26] {strides = array<i32>} : memref<64xi32, #tpu.memory_space<vmem>>, vector<16xi32>,
    tpu.vector_store %arg19[%swap3A_26], %add3A_25 {strides = array<i32>} : memref<64xi32, #tpu.memory_space<vmem>>, vector<16xi32>,
    %add3A_28 = arith.constant 48 : i32
    %add3A_29 = vector.broadcast %add3A_28 : i32 to vector<16xi32>
    %add3A_30 = arith.addi %iota3A, %add3A_29 : vector<16xi32>
    %swap3A_31 = arith.constant 48 : index
    %swap3A_32 = tpu.vector_load %arg19[%swap3A_31] {strides = array<i32>} : memref<64xi32, #tpu.memory_space<vmem>>, vector<16xi32>,
    tpu.vector_store %arg19[%swap3A_31], %add3A_30 {strides = array<i32>} : memref<64xi32, #tpu.memory_space<vmem>>, vector<16xi32>,
    %eq3A = arith.constant 0 : i32
    %eq3A_33 = arith.cmpi eq, %arg1, %eq3A : i32
    %convert_element_type3A = arith.extui %eq3A_33 : i1 to i32
    %cond3A = arith.constant 0 : i32
    %cond3A_34 = arith.cmpi ne, %convert_element_type3A, %cond3A : i32
    scf.if %cond3A_34 {
      "tpu.region"() ({
        %run_scoped3A = tpu.sem_alloc : memref<!tpu.dma_semaphore, #tpu.memory_space<semaphore_mem>>
        tpu.enqueue_dma source(%arg18 : memref<64x16xf32, #tpu.memory_space<vmem>>) target(%arg20 : memref<64x16xf32, #tpu.memory_space<vmem_shared>>) target_semaphore(%run_scoped3A : memref<!tpu.dma_semaphore, #tpu.memory_space<semaphore_mem>>)
        tpu.wait_dma2 semaphore(%run_scoped3A : memref<!tpu.dma_semaphore, #tpu.memory_space<semaphore_mem>>) src(%arg18 : memref<64x16xf32, #tpu.memory_space<vmem>>) dst(%arg20 : memref<64x16xf32, #tpu.memory_space<vmem_shared>>)
        tpu.yield
      }) : () -> ()
    } else {
    }
    %barrier3A = arith.constant 0 : index
    tpu.barrier barrier_id(%barrier3A)
    %broadcast_in_dim3A_35 = arith.constant 0 : i32
    %broadcast_in_dim3A_36 = vector.broadcast %broadcast_in_dim3A_35 : i32 to vector<16xi32>
    %add3A_37 = arith.constant 1 : i32
    %add3A_38 = vector.broadcast %add3A_37 : i32 to vector<16xi32>
    %add3A_39 = arith.addi %broadcast_in_dim3A_36, %add3A_38 : vector<16xi32>
    %add3A_40 = arith.constant 2 : i32
    %add3A_41 = vector.broadcast %add3A_40 : i32 to vector<16xi32>
    %add3A_42 = arith.addi %broadcast_in_dim3A_36, %add3A_41 : vector<16xi32>
    %add3A_43 = arith.constant 3 : i32
    %add3A_44 = vector.broadcast %add3A_43 : i32 to vector<16xi32>
    %add3A_45 = arith.addi %broadcast_in_dim3A_36, %add3A_44 : vector<16xi32>
    %add3A_46 = arith.constant 4 : i32
    %add3A_47 = vector.broadcast %add3A_46 : i32 to vector<16xi32>
    %add3A_48 = arith.addi %broadcast_in_dim3A_36, %add3A_47 : vector<16xi32>
    %add3A_49 = arith.constant 0 : i32
    %add3A_50 = arith.addi %mul3A_2, %add3A_49 : i32
    %dma_start3A = tpu.memref_slice %arg3[%add3A_50] : memref<3200000xi32, #tpu.memory_space<hbm>> -> memref<800xi32, #tpu.memory_space<hbm>>
    %dma_start3A_51 = tpu.memref_slice %arg3[%add3A_50] : memref<3200000xi32, #tpu.memory_space<hbm>> -> memref<800xi32, #tpu.memory_space<hbm>>
    tpu.enqueue_dma source(%dma_start3A_51 : memref<800xi32, #tpu.memory_space<hbm>>) target(%arg7 : memref<800xi32, #tpu.memory_space<vmem>>) target_semaphore(%arg24 : memref<!tpu.dma_semaphore, #tpu.memory_space<semaphore_mem>>)
    %dma_start3A_52 = tpu.memref_slice %arg4[%add3A_50] : memref<3200000xi32, #tpu.memory_space<hbm>> -> memref<800xi32, #tpu.memory_space<hbm>>
    %dma_start3A_53 = tpu.memref_slice %arg4[%add3A_50] : memref<3200000xi32, #tpu.memory_space<hbm>> -> memref<800xi32, #tpu.memory_space<hbm>>
    tpu.enqueue_dma source(%dma_start3A_53 : memref<800xi32, #tpu.memory_space<hbm>>) target(%arg9 : memref<800xi32, #tpu.memory_space<vmem>>) target_semaphore(%arg24 : memref<!tpu.dma_semaphore, #tpu.memory_space<semaphore_mem>>)
    %add3A_54 = arith.constant 0 : i32
    %add3A_55 = arith.addi %mul3A_2, %add3A_54 : i32
    %dma_start3A_56 = tpu.memref_slice %arg5[%add3A_55] : memref<3200000xi32, #tpu.memory_space<hbm>> -> memref<800xi32, #tpu.memory_space<hbm>>
    %dma_start3A_57 = tpu.memref_slice %arg5[%add3A_55] : memref<3200000xi32, #tpu.memory_space<hbm>> -> memref<800xi32, #tpu.memory_space<hbm>>
    tpu.enqueue_dma source(%dma_start3A_57 : memref<800xi32, #tpu.memory_space<hbm>>) target(%arg11 : memref<800xi32, #tpu.memory_space<vmem>>) target_semaphore(%arg26 : memref<!tpu.dma_semaphore, #tpu.memory_space<semaphore_mem>>)
    %add3A_58 = arith.constant 0 : i32
    %add3A_59 = arith.addi %mul3A_2, %add3A_58 : i32
    %dma_wait3A = tpu.memref_slice %arg3[%add3A_59] : memref<3200000xi32, #tpu.memory_space<hbm>> -> memref<800xi32, #tpu.memory_space<hbm>>
    %dma_wait3A_60 = tpu.memref_slice %arg3[%add3A_59] : memref<3200000xi32, #tpu.memory_space<hbm>> -> memref<800xi32, #tpu.memory_space<hbm>>
    tpu.wait_dma2 semaphore(%arg24 : memref<!tpu.dma_semaphore, #tpu.memory_space<semaphore_mem>>) src(%dma_wait3A_60 : memref<800xi32, #tpu.memory_space<hbm>>) dst(%arg7 : memref<800xi32, #tpu.memory_space<vmem>>)
    %dma_wait3A_61 = tpu.memref_slice %arg4[%add3A_59] : memref<3200000xi32, #tpu.memory_space<hbm>> -> memref<800xi32, #tpu.memory_space<hbm>>
    %dma_wait3A_62 = tpu.memref_slice %arg4[%add3A_59] : memref<3200000xi32, #tpu.memory_space<hbm>> -> memref<800xi32, #tpu.memory_space<hbm>>
    tpu.wait_dma2 semaphore(%arg24 : memref<!tpu.dma_semaphore, #tpu.memory_space<semaphore_mem>>) src(%dma_wait3A_62 : memref<800xi32, #tpu.memory_space<hbm>>) dst(%arg9 : memref<800xi32, #tpu.memory_space<vmem>>)
    %dma_start3A_63 = arith.constant 0 : i32
    %dma_start3A_64 = arith.constant 0 : i32
    %dma_start3A_65 = tpu.memref_slice %arg21[%dma_start3A_63, %dma_start3A_64] : memref<100000x8xf32, #tpu.memory_space<vmem_shared>> -> memref<100000x8xf32, #tpu.memory_space<vmem_shared>>
    tpu.enqueue_indirect_dma source(%dma_start3A_65 : memref<100000x8xf32, #tpu.memory_space<vmem_shared>>) target(%arg13 : memref<800x8xf32, #tpu.memory_space<vmem>>) offsets(%arg7 : memref<800xi32, #tpu.memory_space<vmem>>) semaphore(%arg22 : memref<!tpu.dma_semaphore, #tpu.memory_space<semaphore_mem>>)
    %dma_start3A_66 = arith.constant 0 : i32
    %dma_start3A_67 = arith.constant 0 : i32
    %dma_start3A_68 = tpu.memref_slice %arg21[%dma_start3A_66, %dma_start3A_67] : memref<100000x8xf32, #tpu.memory_space<vmem_shared>> -> memref<100000x8xf32, #tpu.memory_space<vmem_shared>>
    tpu.enqueue_indirect_dma source(%dma_start3A_68 : memref<100000x8xf32, #tpu.memory_space<vmem_shared>>) target(%arg15 : memref<800x8xf32, #tpu.memory_space<vmem>>) offsets(%arg9 : memref<800xi32, #tpu.memory_space<vmem>>) semaphore(%arg22 : memref<!tpu.dma_semaphore, #tpu.memory_space<semaphore_mem>>)
    %add3A_69 = arith.constant 800 : i32
    %add3A_70 = arith.addi %mul3A_2, %add3A_69 : i32
    %dma_start3A_71 = tpu.memref_slice %arg3[%add3A_70] : memref<3200000xi32, #tpu.memory_space<hbm>> -> memref<800xi32, #tpu.memory_space<hbm>>
    %dma_start3A_72 = tpu.memref_slice %arg3[%add3A_70] : memref<3200000xi32, #tpu.memory_space<hbm>> -> memref<800xi32, #tpu.memory_space<hbm>>
    tpu.enqueue_dma source(%dma_start3A_72 : memref<800xi32, #tpu.memory_space<hbm>>) target(%arg8 : memref<800xi32, #tpu.memory_space<vmem>>) target_semaphore(%arg25 : memref<!tpu.dma_semaphore, #tpu.memory_space<semaphore_mem>>)
    %dma_start3A_73 = tpu.memref_slice %arg4[%add3A_70] : memref<3200000xi32, #tpu.memory_space<hbm>> -> memref<800xi32, #tpu.memory_space<hbm>>
    %dma_start3A_74 = tpu.memref_slice %arg4[%add3A_70] : memref<3200000xi32, #tpu.memory_space<hbm>> -> memref<800xi32, #tpu.memory_space<hbm>>
    tpu.enqueue_dma source(%dma_start3A_74 : memref<800xi32, #tpu.memory_space<hbm>>) target(%arg10 : memref<800xi32, #tpu.memory_space<vmem>>) target_semaphore(%arg25 : memref<!tpu.dma_semaphore, #tpu.memory_space<semaphore_mem>>)
    %add3A_75 = arith.constant 800 : i32
    %add3A_76 = arith.addi %mul3A_2, %add3A_75 : i32
    %dma_start3A_77 = tpu.memref_slice %arg5[%add3A_76] : memref<3200000xi32, #tpu.memory_space<hbm>> -> memref<800xi32, #tpu.memory_space<hbm>>
    %dma_start3A_78 = tpu.memref_slice %arg5[%add3A_76] : memref<3200000xi32, #tpu.memory_space<hbm>> -> memref<800xi32, #tpu.memory_space<hbm>>
    tpu.enqueue_dma source(%dma_start3A_78 : memref<800xi32, #tpu.memory_space<hbm>>) target(%arg12 : memref<800xi32, #tpu.memory_space<vmem>>) target_semaphore(%arg27 : memref<!tpu.dma_semaphore, #tpu.memory_space<semaphore_mem>>)
    %add3A_79 = arith.constant 800 : i32
    %add3A_80 = arith.addi %mul3A_2, %add3A_79 : i32
    %dma_wait3A_81 = tpu.memref_slice %arg3[%add3A_80] : memref<3200000xi32, #tpu.memory_space<hbm>> -> memref<800xi32, #tpu.memory_space<hbm>>
    %dma_wait3A_82 = tpu.memref_slice %arg3[%add3A_80] : memref<3200000xi32, #tpu.memory_space<hbm>> -> memref<800xi32, #tpu.memory_space<hbm>>
    tpu.wait_dma2 semaphore(%arg25 : memref<!tpu.dma_semaphore, #tpu.memory_space<semaphore_mem>>) src(%dma_wait3A_82 : memref<800xi32, #tpu.memory_space<hbm>>) dst(%arg8 : memref<800xi32, #tpu.memory_space<vmem>>)
    %dma_wait3A_83 = tpu.memref_slice %arg4[%add3A_80] : memref<3200000xi32, #tpu.memory_space<hbm>> -> memref<800xi32, #tpu.memory_space<hbm>>
    %dma_wait3A_84 = tpu.memref_slice %arg4[%add3A_80] : memref<3200000xi32, #tpu.memory_space<hbm>> -> memref<800xi32, #tpu.memory_space<hbm>>
    tpu.wait_dma2 semaphore(%arg25 : memref<!tpu.dma_semaphore, #tpu.memory_space<semaphore_mem>>) src(%dma_wait3A_84 : memref<800xi32, #tpu.memory_space<hbm>>) dst(%arg10 : memref<800xi32, #tpu.memory_space<vmem>>)
    %dma_start3A_85 = arith.constant 0 : i32
    %dma_start3A_86 = arith.constant 0 : i32
    %dma_start3A_87 = tpu.memref_slice %arg21[%dma_start3A_85, %dma_start3A_86] : memref<100000x8xf32, #tpu.memory_space<vmem_shared>> -> memref<100000x8xf32, #tpu.memory_space<vmem_shared>>
    tpu.enqueue_indirect_dma source(%dma_start3A_87 : memref<100000x8xf32, #tpu.memory_space<vmem_shared>>) target(%arg14 : memref<800x8xf32, #tpu.memory_space<vmem>>) offsets(%arg8 : memref<800xi32, #tpu.memory_space<vmem>>) semaphore(%arg23 : memref<!tpu.dma_semaphore, #tpu.memory_space<semaphore_mem>>)
    %dma_start3A_88 = arith.constant 0 : i32
    %dma_start3A_89 = arith.constant 0 : i32
    %dma_start3A_90 = tpu.memref_slice %arg21[%dma_start3A_88, %dma_start3A_89] : memref<100000x8xf32, #tpu.memory_space<vmem_shared>> -> memref<100000x8xf32, #tpu.memory_space<vmem_shared>>
    tpu.enqueue_indirect_dma source(%dma_start3A_90 : memref<100000x8xf32, #tpu.memory_space<vmem_shared>>) target(%arg16 : memref<800x8xf32, #tpu.memory_space<vmem>>) offsets(%arg10 : memref<800xi32, #tpu.memory_space<vmem>>) semaphore(%arg23 : memref<!tpu.dma_semaphore, #tpu.memory_space<semaphore_mem>>)
    %scan3A_91 = arith.constant 0 : i32
    %scan3A_92 = arith.constant 0 : i32
    %scan3A_93 = arith.constant 61 : i32
    %scan3A_94 = arith.addi %scan3A_92, %scan3A_93 : i32
    %scan3A_95 = arith.constant 1 : i32
    %scan3A_96 = scf.for %scan3A_184 = %scan3A_92 to %scan3A_94 step %scan3A_95 iter_args(%scan3A_185 = %scan3A_91) -> (i32)  : i32 {
      %mul3A_186 = arith.constant 2 : i32
      %mul3A_187 = arith.muli %scan3A_184, %mul3A_186 : i32
      %dma_wait3A_188 = arith.constant 0 : i32
      %dma_wait3A_189 = arith.constant 0 : i32
      %dma_wait3A_190 = tpu.memref_slice %arg21[%dma_wait3A_188, %dma_wait3A_189] : memref<100000x8xf32, #tpu.memory_space<vmem_shared>> -> memref<100000x8xf32, #tpu.memory_space<vmem_shared>>
      tpu.wait_indirect_dma semaphore(%arg22 : memref<!tpu.dma_semaphore, #tpu.memory_space<semaphore_mem>>) src(%dma_wait3A_190 : memref<100000x8xf32, #tpu.memory_space<vmem_shared>>) dst(%arg13 : memref<800x8xf32, #tpu.memory_space<vmem>>)
      %dma_wait3A_191 = arith.constant 0 : i32
      %dma_wait3A_192 = arith.constant 0 : i32
      %dma_wait3A_193 = tpu.memref_slice %arg21[%dma_wait3A_191, %dma_wait3A_192] : memref<100000x8xf32, #tpu.memory_space<vmem_shared>> -> memref<100000x8xf32, #tpu.memory_space<vmem_shared>>
      tpu.wait_indirect_dma semaphore(%arg22 : memref<!tpu.dma_semaphore, #tpu.memory_space<semaphore_mem>>) src(%dma_wait3A_193 : memref<100000x8xf32, #tpu.memory_space<vmem_shared>>) dst(%arg15 : memref<800x8xf32, #tpu.memory_space<vmem>>)
      %add3A_194 = arith.constant 2 : i32
      %add3A_195 = arith.addi %mul3A_187, %add3A_194 : i32
      %mul3A_196 = arith.constant 800 : i32
      %mul3A_197 = arith.muli %add3A_195, %mul3A_196 : i32
      %add3A_198 = arith.addi %mul3A_2, %mul3A_197 : i32
      %dma_start3A_199 = tpu.memref_slice %arg3[%add3A_198] : memref<3200000xi32, #tpu.memory_space<hbm>> -> memref<800xi32, #tpu.memory_space<hbm>>
      %dma_start3A_200 = tpu.memref_slice %arg3[%add3A_198] : memref<3200000xi32, #tpu.memory_space<hbm>> -> memref<800xi32, #tpu.memory_space<hbm>>
      tpu.enqueue_dma source(%dma_start3A_200 : memref<800xi32, #tpu.memory_space<hbm>>) target(%arg7 : memref<800xi32, #tpu.memory_space<vmem>>) target_semaphore(%arg24 : memref<!tpu.dma_semaphore, #tpu.memory_space<semaphore_mem>>)
      %dma_start3A_201 = tpu.memref_slice %arg4[%add3A_198] : memref<3200000xi32, #tpu.memory_space<hbm>> -> memref<800xi32, #tpu.memory_space<hbm>>
      %dma_start3A_202 = tpu.memref_slice %arg4[%add3A_198] : memref<3200000xi32, #tpu.memory_space<hbm>> -> memref<800xi32, #tpu.memory_space<hbm>>
      tpu.enqueue_dma source(%dma_start3A_202 : memref<800xi32, #tpu.memory_space<hbm>>) target(%arg9 : memref<800xi32, #tpu.memory_space<vmem>>) target_semaphore(%arg24 : memref<!tpu.dma_semaphore, #tpu.memory_space<semaphore_mem>>)
      %mul3A_203 = arith.constant 800 : i32
      %mul3A_204 = arith.muli %mul3A_187, %mul3A_203 : i32
      %add3A_205 = arith.addi %mul3A_2, %mul3A_204 : i32
      %dma_wait3A_206 = tpu.memref_slice %arg5[%add3A_205] : memref<3200000xi32, #tpu.memory_space<hbm>> -> memref<800xi32, #tpu.memory_space<hbm>>
      %dma_wait3A_207 = tpu.memref_slice %arg5[%add3A_205] : memref<3200000xi32, #tpu.memory_space<hbm>> -> memref<800xi32, #tpu.memory_space<hbm>>
      tpu.wait_dma2 semaphore(%arg26 : memref<!tpu.dma_semaphore, #tpu.memory_space<semaphore_mem>>) src(%dma_wait3A_207 : memref<800xi32, #tpu.memory_space<hbm>>) dst(%arg11 : memref<800xi32, #tpu.memory_space<vmem>>)
      %scan3A_208 = arith.constant 0 : i32
      %scan3A_209 = arith.constant 0 : i32
      %scan3A_210 = arith.constant 50 : i32
      %scan3A_211 = arith.addi %scan3A_209, %scan3A_210 : i32
      %scan3A_212 = arith.constant 1 : i32
      %scan3A_213 = scf.for %scan3A_289 = %scan3A_209 to %scan3A_211 step %scan3A_212 iter_args(%scan3A_290 = %scan3A_208) -> (i32)  : i32 {
        %mul3A_291 = arith.constant 16 : i32
        %mul3A_292 = arith.muli %scan3A_289, %mul3A_291 : i32
        %add3A_293 = vector.broadcast %mul3A_292 : i32 to vector<16xi32>
        %add3A_294 = arith.addi %add3A_293, %iota3A : vector<16xi32>
        %mul3A_295 = arith.constant 16 : i32
        %mul3A_296 = arith.muli %scan3A_289, %mul3A_295 : i32
        %get3A = arith.index_cast %mul3A_296 : i32 to index
        %get3A_297 = tpu.vector_load %arg11[%get3A] {strides = array<i32>} : memref<800xi32, #tpu.memory_space<vmem>>, vector<16xi32>,
        %gather3A = tpu.vector_load_idx %arg13[%add3A_294, %broadcast_in_dim3A_36] : memref<800x8xf32, #tpu.memory_space<vmem>>[vector<16xi32>, vector<16xi32>], vector<16xf32>,
        %gather3A_298 = tpu.vector_load_idx %arg13[%add3A_294, %add3A_39] : memref<800x8xf32, #tpu.memory_space<vmem>>[vector<16xi32>, vector<16xi32>], vector<16xf32>,
        %gather3A_299 = tpu.vector_load_idx %arg13[%add3A_294, %add3A_42] : memref<800x8xf32, #tpu.memory_space<vmem>>[vector<16xi32>, vector<16xi32>], vector<16xf32>,
        %gather3A_300 = tpu.vector_load_idx %arg13[%add3A_294, %add3A_45] : memref<800x8xf32, #tpu.memory_space<vmem>>[vector<16xi32>, vector<16xi32>], vector<16xf32>,
        %gather3A_301 = tpu.vector_load_idx %arg13[%add3A_294, %add3A_48] : memref<800x8xf32, #tpu.memory_space<vmem>>[vector<16xi32>, vector<16xi32>], vector<16xf32>,
        %gather3A_302 = tpu.vector_load_idx %arg15[%add3A_294, %broadcast_in_dim3A_36] : memref<800x8xf32, #tpu.memory_space<vmem>>[vector<16xi32>, vector<16xi32>], vector<16xf32>,
        %gather3A_303 = tpu.vector_load_idx %arg15[%add3A_294, %add3A_39] : memref<800x8xf32, #tpu.memory_space<vmem>>[vector<16xi32>, vector<16xi32>], vector<16xf32>,
        %gather3A_304 = tpu.vector_load_idx %arg15[%add3A_294, %add3A_42] : memref<800x8xf32, #tpu.memory_space<vmem>>[vector<16xi32>, vector<16xi32>], vector<16xf32>,
        %gather3A_305 = tpu.vector_load_idx %arg15[%add3A_294, %add3A_45] : memref<800x8xf32, #tpu.memory_space<vmem>>[vector<16xi32>, vector<16xi32>], vector<16xf32>,
        %gather3A_306 = tpu.vector_load_idx %arg15[%add3A_294, %add3A_48] : memref<800x8xf32, #tpu.memory_space<vmem>>[vector<16xi32>, vector<16xi32>], vector<16xf32>,
        %sub3A = arith.subf %gather3A, %gather3A_302 : vector<16xf32>
        %sub3A_307 = arith.subf %gather3A_298, %gather3A_303 : vector<16xf32>
        %sub3A_308 = arith.subf %gather3A_299, %gather3A_304 : vector<16xf32>
        %mul3A_309 = arith.mulf %sub3A, %sub3A : vector<16xf32>
        %mul3A_310 = arith.mulf %sub3A_307, %sub3A_307 : vector<16xf32>
        %add3A_311 = arith.addf %mul3A_309, %mul3A_310 : vector<16xf32>
        %mul3A_312 = arith.mulf %sub3A_308, %sub3A_308 : vector<16xf32>
        %add3A_313 = arith.addf %add3A_311, %mul3A_312 : vector<16xf32>
        %add3A_314 = arith.constant 9.99999996E-13 : f32
        %add3A_315 = vector.broadcast %add3A_314 : f32 to vector<16xf32>
        %add3A_316 = arith.addf %add3A_313, %add3A_315 : vector<16xf32>
        %max3A = arith.constant 2.500000e-01 : f32
        %max3A_317 = vector.broadcast %max3A : f32 to vector<16xf32>
        %max3A_318 = arith.maximumf %add3A_316, %max3A_317 : vector<16xf32>
        %mul3A_319 = arith.mulf %gather3A_300, %gather3A_305 : vector<16xf32>
        %add3A_320 = arith.constant 9.99999996E-13 : f32
        %add3A_321 = vector.broadcast %add3A_320 : f32 to vector<16xf32>
        %add3A_322 = arith.addf %mul3A_319, %add3A_321 : vector<16xf32>
        %bitcast3A = vector.bitcast %add3A_322 : vector<16xf32> to vector<16xi32>
        %shift_right_logical3A = arith.constant 1 : i32
        %shift_right_logical3A_323 = vector.broadcast %shift_right_logical3A : i32 to vector<16xi32>
        %shift_right_logical3A_324 = arith.shrui %bitcast3A, %shift_right_logical3A_323 : vector<16xi32>
        %sub3A_325 = arith.constant 1597463007 : i32
        %sub3A_326 = vector.broadcast %sub3A_325 : i32 to vector<16xi32>
        %sub3A_327 = arith.subi %sub3A_326, %shift_right_logical3A_324 : vector<16xi32>
        %bitcast3A_328 = vector.bitcast %sub3A_327 : vector<16xi32> to vector<16xf32>
        %mul3A_329 = arith.constant 5.000000e-01 : f32
        %mul3A_330 = vector.broadcast %mul3A_329 : f32 to vector<16xf32>
        %mul3A_331 = arith.mulf %mul3A_330, %add3A_322 : vector<16xf32>
        %mul3A_332 = arith.mulf %mul3A_331, %bitcast3A_328 : vector<16xf32>
        %mul3A_333 = arith.mulf %mul3A_332, %bitcast3A_328 : vector<16xf32>
        %sub3A_334 = arith.constant 1.500000e+00 : f32
        %sub3A_335 = vector.broadcast %sub3A_334 : f32 to vector<16xf32>
        %sub3A_336 = arith.subf %sub3A_335, %mul3A_333 : vector<16xf32>
        %mul3A_337 = arith.mulf %bitcast3A_328, %sub3A_336 : vector<16xf32>
        %mul3A_338 = arith.constant 5.000000e-01 : f32
        %mul3A_339 = vector.broadcast %mul3A_338 : f32 to vector<16xf32>
        %mul3A_340 = arith.mulf %mul3A_339, %add3A_322 : vector<16xf32>
        %mul3A_341 = arith.mulf %mul3A_340, %mul3A_337 : vector<16xf32>
        %mul3A_342 = arith.mulf %mul3A_341, %mul3A_337 : vector<16xf32>
        %sub3A_343 = arith.constant 1.500000e+00 : f32
        %sub3A_344 = vector.broadcast %sub3A_343 : f32 to vector<16xf32>
        %sub3A_345 = arith.subf %sub3A_344, %mul3A_342 : vector<16xf32>
        %mul3A_346 = arith.mulf %mul3A_337, %sub3A_345 : vector<16xf32>
        %mul3A_347 = arith.constant 5.000000e-01 : f32
        %mul3A_348 = vector.broadcast %mul3A_347 : f32 to vector<16xf32>
        %mul3A_349 = arith.mulf %mul3A_348, %add3A_322 : vector<16xf32>
        %mul3A_350 = arith.mulf %mul3A_349, %mul3A_346 : vector<16xf32>
        %mul3A_351 = arith.mulf %mul3A_350, %mul3A_346 : vector<16xf32>
        %sub3A_352 = arith.constant 1.500000e+00 : f32
        %sub3A_353 = vector.broadcast %sub3A_352 : f32 to vector<16xf32>
        %sub3A_354 = arith.subf %sub3A_353, %mul3A_351 : vector<16xf32>
        %mul3A_355 = arith.mulf %mul3A_346, %sub3A_354 : vector<16xf32>
        %mul3A_356 = arith.mulf %add3A_322, %mul3A_355 : vector<16xf32>
        %add3A_357 = arith.addf %gather3A_301, %gather3A_306 : vector<16xf32>
        %mul3A_358 = arith.constant 5.000000e-01 : f32
        %mul3A_359 = vector.broadcast %mul3A_358 : f32 to vector<16xf32>
        %mul3A_360 = arith.mulf %mul3A_359, %add3A_357 : vector<16xf32>
        %mul3A_361 = arith.mulf %mul3A_360, %mul3A_360 : vector<16xf32>
        %mul3A_362 = arith.mulf %mul3A_361, %mul3A_361 : vector<16xf32>
        %mul3A_363 = arith.mulf %mul3A_362, %mul3A_361 : vector<16xf32>
        %mul3A_364 = arith.mulf %max3A_318, %max3A_318 : vector<16xf32>
        %mul3A_365 = arith.mulf %mul3A_364, %max3A_318 : vector<16xf32>
        %div3A = arith.divf %mul3A_363, %mul3A_365 : vector<16xf32>
        %mul3A_366 = arith.constant 4.000000e+00 : f32
        %mul3A_367 = vector.broadcast %mul3A_366 : f32 to vector<16xf32>
        %mul3A_368 = arith.mulf %mul3A_367, %mul3A_356 : vector<16xf32>
        %mul3A_369 = arith.mulf %div3A, %div3A : vector<16xf32>
        %sub3A_370 = arith.subf %mul3A_369, %div3A : vector<16xf32>
        %mul3A_371 = arith.mulf %mul3A_368, %sub3A_370 : vector<16xf32>
        tpu.vector_store_idx %arg17[%iota3A, %get3A_297], %mul3A_371 {add = true} : memref<16x1024xf32, #tpu.memory_space<vmem>>[vector<16xi32>, vector<16xi32>], vector<16xf32>,
        %scan3A_372 = arith.constant 0 : i32
        scf.yield %scan3A_372 : i32
      }
      %scan3A_214 = arith.constant 50 : i32
      %add3A_215 = arith.constant 2 : i32
      %add3A_216 = arith.addi %mul3A_187, %add3A_215 : i32
      %mul3A_217 = arith.constant 800 : i32
      %mul3A_218 = arith.muli %add3A_216, %mul3A_217 : i32
      %add3A_219 = arith.addi %mul3A_2, %mul3A_218 : i32
      %dma_start3A_220 = tpu.memref_slice %arg5[%add3A_219] : memref<3200000xi32, #tpu.memory_space<hbm>> -> memref<800xi32, #tpu.memory_space<hbm>>
      %dma_start3A_221 = tpu.memref_slice %arg5[%add3A_219] : memref<3200000xi32, #tpu.memory_space<hbm>> -> memref<800xi32, #tpu.memory_space<hbm>>
      tpu.enqueue_dma source(%dma_start3A_221 : memref<800xi32, #tpu.memory_space<hbm>>) target(%arg11 : memref<800xi32, #tpu.memory_space<vmem>>) target_semaphore(%arg26 : memref<!tpu.dma_semaphore, #tpu.memory_space<semaphore_mem>>)
      %add3A_222 = arith.constant 2 : i32
      %add3A_223 = arith.addi %mul3A_187, %add3A_222 : i32
      %mul3A_224 = arith.constant 800 : i32
      %mul3A_225 = arith.muli %add3A_223, %mul3A_224 : i32
      %add3A_226 = arith.addi %mul3A_2, %mul3A_225 : i32
      %dma_wait3A_227 = tpu.memref_slice %arg3[%add3A_226] : memref<3200000xi32, #tpu.memory_space<hbm>> -> memref<800xi32, #tpu.memory_space<hbm>>
      %dma_wait3A_228 = tpu.memref_slice %arg3[%add3A_226] : memref<3200000xi32, #tpu.memory_space<hbm>> -> memref<800xi32, #tpu.memory_space<hbm>>
      tpu.wait_dma2 semaphore(%arg24 : memref<!tpu.dma_semaphore, #tpu.memory_space<semaphore_mem>>) src(%dma_wait3A_228 : memref<800xi32, #tpu.memory_space<hbm>>) dst(%arg7 : memref<800xi32, #tpu.memory_space<vmem>>)
      %dma_wait3A_229 = tpu.memref_slice %arg4[%add3A_226] : memref<3200000xi32, #tpu.memory_space<hbm>> -> memref<800xi32, #tpu.memory_space<hbm>>
      %dma_wait3A_230 = tpu.memref_slice %arg4[%add3A_226] : memref<3200000xi32, #tpu.memory_space<hbm>> -> memref<800xi32, #tpu.memory_space<hbm>>
      tpu.wait_dma2 semaphore(%arg24 : memref<!tpu.dma_semaphore, #tpu.memory_space<semaphore_mem>>) src(%dma_wait3A_230 : memref<800xi32, #tpu.memory_space<hbm>>) dst(%arg9 : memref<800xi32, #tpu.memory_space<vmem>>)
      %dma_start3A_231 = arith.constant 0 : i32
      %dma_start3A_232 = arith.constant 0 : i32
      %dma_start3A_233 = tpu.memref_slice %arg21[%dma_start3A_231, %dma_start3A_232] : memref<100000x8xf32, #tpu.memory_space<vmem_shared>> -> memref<100000x8xf32, #tpu.memory_space<vmem_shared>>
      tpu.enqueue_indirect_dma source(%dma_start3A_233 : memref<100000x8xf32, #tpu.memory_space<vmem_shared>>) target(%arg13 : memref<800x8xf32, #tpu.memory_space<vmem>>) offsets(%arg7 : memref<800xi32, #tpu.memory_space<vmem>>) semaphore(%arg22 : memref<!tpu.dma_semaphore, #tpu.memory_space<semaphore_mem>>)
      %dma_start3A_234 = arith.constant 0 : i32
      %dma_start3A_235 = arith.constant 0 : i32
      %dma_start3A_236 = tpu.memref_slice %arg21[%dma_start3A_234, %dma_start3A_235] : memref<100000x8xf32, #tpu.memory_space<vmem_shared>> -> memref<100000x8xf32, #tpu.memory_space<vmem_shared>>
      tpu.enqueue_indirect_dma source(%dma_start3A_236 : memref<100000x8xf32, #tpu.memory_space<vmem_shared>>) target(%arg15 : memref<800x8xf32, #tpu.memory_space<vmem>>) offsets(%arg9 : memref<800xi32, #tpu.memory_space<vmem>>) semaphore(%arg22 : memref<!tpu.dma_semaphore, #tpu.memory_space<semaphore_mem>>)
      %dma_wait3A_237 = arith.constant 0 : i32
      %dma_wait3A_238 = arith.constant 0 : i32
      %dma_wait3A_239 = tpu.memref_slice %arg21[%dma_wait3A_237, %dma_wait3A_238] : memref<100000x8xf32, #tpu.memory_space<vmem_shared>> -> memref<100000x8xf32, #tpu.memory_space<vmem_shared>>
      tpu.wait_indirect_dma semaphore(%arg23 : memref<!tpu.dma_semaphore, #tpu.memory_space<semaphore_mem>>) src(%dma_wait3A_239 : memref<100000x8xf32, #tpu.memory_space<vmem_shared>>) dst(%arg14 : memref<800x8xf32, #tpu.memory_space<vmem>>)
      %dma_wait3A_240 = arith.constant 0 : i32
      %dma_wait3A_241 = arith.constant 0 : i32
      %dma_wait3A_242 = tpu.memref_slice %arg21[%dma_wait3A_240, %dma_wait3A_241] : memref<100000x8xf32, #tpu.memory_space<vmem_shared>> -> memref<100000x8xf32, #tpu.memory_space<vmem_shared>>
      tpu.wait_indirect_dma semaphore(%arg23 : memref<!tpu.dma_semaphore, #tpu.memory_space<semaphore_mem>>) src(%dma_wait3A_242 : memref<100000x8xf32, #tpu.memory_space<vmem_shared>>) dst(%arg16 : memref<800x8xf32, #tpu.memory_space<vmem>>)
      %add3A_243 = arith.constant 3 : i32
      %add3A_244 = arith.addi %mul3A_187, %add3A_243 : i32
      %mul3A_245 = arith.constant 800 : i32
      %mul3A_246 = arith.muli %add3A_244, %mul3A_245 : i32
      %add3A_247 = arith.addi %mul3A_2, %mul3A_246 : i32
      %dma_start3A_248 = tpu.memref_slice %arg3[%add3A_247] : memref<3200000xi32, #tpu.memory_space<hbm>> -> memref<800xi32, #tpu.memory_space<hbm>>
      %dma_start3A_249 = tpu.memref_slice %arg3[%add3A_247] : memref<3200000xi32, #tpu.memory_space<hbm>> -> memref<800xi32, #tpu.memory_space<hbm>>
      tpu.enqueue_dma source(%dma_start3A_249 : memref<800xi32, #tpu.memory_space<hbm>>) target(%arg8 : memref<800xi32, #tpu.memory_space<vmem>>) target_semaphore(%arg25 : memref<!tpu.dma_semaphore, #tpu.memory_space<semaphore_mem>>)
      %dma_start3A_250 = tpu.memref_slice %arg4[%add3A_247] : memref<3200000xi32, #tpu.memory_space<hbm>> -> memref<800xi32, #tpu.memory_space<hbm>>
      %dma_start3A_251 = tpu.memref_slice %arg4[%add3A_247] : memref<3200000xi32, #tpu.memory_space<hbm>> -> memref<800xi32, #tpu.memory_space<hbm>>
      tpu.enqueue_dma source(%dma_start3A_251 : memref<800xi32, #tpu.memory_space<hbm>>) target(%arg10 : memref<800xi32, #tpu.memory_space<vmem>>) target_semaphore(%arg25 : memref<!tpu.dma_semaphore, #tpu.memory_space<semaphore_mem>>)
      %add3A_252 = arith.constant 1 : i32
      %add3A_253 = arith.addi %mul3A_187, %add3A_252 : i32
      %mul3A_254 = arith.constant 800 : i32
      %mul3A_255 = arith.muli %add3A_253, %mul3A_254 : i32
      %add3A_256 = arith.addi %mul3A_2, %mul3A_255 : i32
      %dma_wait3A_257 = tpu.memref_slice %arg5[%add3A_256] : memref<3200000xi32, #tpu.memory_space<hbm>> -> memref<800xi32, #tpu.memory_space<hbm>>
      %dma_wait3A_258 = tpu.memref_slice %arg5[%add3A_256] : memref<3200000xi32, #tpu.memory_space<hbm>> -> memref<800xi32, #tpu.memory_space<hbm>>
      tpu.wait_dma2 semaphore(%arg27 : memref<!tpu.dma_semaphore, #tpu.memory_space<semaphore_mem>>) src(%dma_wait3A_258 : memref<800xi32, #tpu.memory_space<hbm>>) dst(%arg12 : memref<800xi32, #tpu.memory_space<vmem>>)
      %scan3A_259 = arith.constant 0 : i32
      %scan3A_260 = arith.constant 0 : i32
      %scan3A_261 = arith.constant 50 : i32
      %scan3A_262 = arith.addi %scan3A_260, %scan3A_261 : i32
      %scan3A_263 = arith.constant 1 : i32
      %scan3A_264 = scf.for %scan3A_289 = %scan3A_260 to %scan3A_262 step %scan3A_263 iter_args(%scan3A_290 = %scan3A_259) -> (i32)  : i32 {
        %mul3A_291 = arith.constant 16 : i32
        %mul3A_292 = arith.muli %scan3A_289, %mul3A_291 : i32
        %add3A_293 = vector.broadcast %mul3A_292 : i32 to vector<16xi32>
        %add3A_294 = arith.addi %add3A_293, %iota3A : vector<16xi32>
        %mul3A_295 = arith.constant 16 : i32
        %mul3A_296 = arith.muli %scan3A_289, %mul3A_295 : i32
        %get3A = arith.index_cast %mul3A_296 : i32 to index
        %get3A_297 = tpu.vector_load %arg12[%get3A] {strides = array<i32>} : memref<800xi32, #tpu.memory_space<vmem>>, vector<16xi32>,
        %gather3A = tpu.vector_load_idx %arg14[%add3A_294, %broadcast_in_dim3A_36] : memref<800x8xf32, #tpu.memory_space<vmem>>[vector<16xi32>, vector<16xi32>], vector<16xf32>,
        %gather3A_298 = tpu.vector_load_idx %arg14[%add3A_294, %add3A_39] : memref<800x8xf32, #tpu.memory_space<vmem>>[vector<16xi32>, vector<16xi32>], vector<16xf32>,
        %gather3A_299 = tpu.vector_load_idx %arg14[%add3A_294, %add3A_42] : memref<800x8xf32, #tpu.memory_space<vmem>>[vector<16xi32>, vector<16xi32>], vector<16xf32>,
        %gather3A_300 = tpu.vector_load_idx %arg14[%add3A_294, %add3A_45] : memref<800x8xf32, #tpu.memory_space<vmem>>[vector<16xi32>, vector<16xi32>], vector<16xf32>,
        %gather3A_301 = tpu.vector_load_idx %arg14[%add3A_294, %add3A_48] : memref<800x8xf32, #tpu.memory_space<vmem>>[vector<16xi32>, vector<16xi32>], vector<16xf32>,
        %gather3A_302 = tpu.vector_load_idx %arg16[%add3A_294, %broadcast_in_dim3A_36] : memref<800x8xf32, #tpu.memory_space<vmem>>[vector<16xi32>, vector<16xi32>], vector<16xf32>,
        %gather3A_303 = tpu.vector_load_idx %arg16[%add3A_294, %add3A_39] : memref<800x8xf32, #tpu.memory_space<vmem>>[vector<16xi32>, vector<16xi32>], vector<16xf32>,
        %gather3A_304 = tpu.vector_load_idx %arg16[%add3A_294, %add3A_42] : memref<800x8xf32, #tpu.memory_space<vmem>>[vector<16xi32>, vector<16xi32>], vector<16xf32>,
        %gather3A_305 = tpu.vector_load_idx %arg16[%add3A_294, %add3A_45] : memref<800x8xf32, #tpu.memory_space<vmem>>[vector<16xi32>, vector<16xi32>], vector<16xf32>,
        %gather3A_306 = tpu.vector_load_idx %arg16[%add3A_294, %add3A_48] : memref<800x8xf32, #tpu.memory_space<vmem>>[vector<16xi32>, vector<16xi32>], vector<16xf32>,
        %sub3A = arith.subf %gather3A, %gather3A_302 : vector<16xf32>
        %sub3A_307 = arith.subf %gather3A_298, %gather3A_303 : vector<16xf32>
        %sub3A_308 = arith.subf %gather3A_299, %gather3A_304 : vector<16xf32>
        %mul3A_309 = arith.mulf %sub3A, %sub3A : vector<16xf32>
        %mul3A_310 = arith.mulf %sub3A_307, %sub3A_307 : vector<16xf32>
        %add3A_311 = arith.addf %mul3A_309, %mul3A_310 : vector<16xf32>
        %mul3A_312 = arith.mulf %sub3A_308, %sub3A_308 : vector<16xf32>
        %add3A_313 = arith.addf %add3A_311, %mul3A_312 : vector<16xf32>
        %add3A_314 = arith.constant 9.99999996E-13 : f32
        %add3A_315 = vector.broadcast %add3A_314 : f32 to vector<16xf32>
        %add3A_316 = arith.addf %add3A_313, %add3A_315 : vector<16xf32>
        %max3A = arith.constant 2.500000e-01 : f32
        %max3A_317 = vector.broadcast %max3A : f32 to vector<16xf32>
        %max3A_318 = arith.maximumf %add3A_316, %max3A_317 : vector<16xf32>
        %mul3A_319 = arith.mulf %gather3A_300, %gather3A_305 : vector<16xf32>
        %add3A_320 = arith.constant 9.99999996E-13 : f32
        %add3A_321 = vector.broadcast %add3A_320 : f32 to vector<16xf32>
        %add3A_322 = arith.addf %mul3A_319, %add3A_321 : vector<16xf32>
        %bitcast3A = vector.bitcast %add3A_322 : vector<16xf32> to vector<16xi32>
        %shift_right_logical3A = arith.constant 1 : i32
        %shift_right_logical3A_323 = vector.broadcast %shift_right_logical3A : i32 to vector<16xi32>
        %shift_right_logical3A_324 = arith.shrui %bitcast3A, %shift_right_logical3A_323 : vector<16xi32>
        %sub3A_325 = arith.constant 1597463007 : i32
        %sub3A_326 = vector.broadcast %sub3A_325 : i32 to vector<16xi32>
        %sub3A_327 = arith.subi %sub3A_326, %shift_right_logical3A_324 : vector<16xi32>
        %bitcast3A_328 = vector.bitcast %sub3A_327 : vector<16xi32> to vector<16xf32>
        %mul3A_329 = arith.constant 5.000000e-01 : f32
        %mul3A_330 = vector.broadcast %mul3A_329 : f32 to vector<16xf32>
        %mul3A_331 = arith.mulf %mul3A_330, %add3A_322 : vector<16xf32>
        %mul3A_332 = arith.mulf %mul3A_331, %bitcast3A_328 : vector<16xf32>
        %mul3A_333 = arith.mulf %mul3A_332, %bitcast3A_328 : vector<16xf32>
        %sub3A_334 = arith.constant 1.500000e+00 : f32
        %sub3A_335 = vector.broadcast %sub3A_334 : f32 to vector<16xf32>
        %sub3A_336 = arith.subf %sub3A_335, %mul3A_333 : vector<16xf32>
        %mul3A_337 = arith.mulf %bitcast3A_328, %sub3A_336 : vector<16xf32>
        %mul3A_338 = arith.constant 5.000000e-01 : f32
        %mul3A_339 = vector.broadcast %mul3A_338 : f32 to vector<16xf32>
        %mul3A_340 = arith.mulf %mul3A_339, %add3A_322 : vector<16xf32>
        %mul3A_341 = arith.mulf %mul3A_340, %mul3A_337 : vector<16xf32>
        %mul3A_342 = arith.mulf %mul3A_341, %mul3A_337 : vector<16xf32>
        %sub3A_343 = arith.constant 1.500000e+00 : f32
        %sub3A_344 = vector.broadcast %sub3A_343 : f32 to vector<16xf32>
        %sub3A_345 = arith.subf %sub3A_344, %mul3A_342 : vector<16xf32>
        %mul3A_346 = arith.mulf %mul3A_337, %sub3A_345 : vector<16xf32>
        %mul3A_347 = arith.constant 5.000000e-01 : f32
        %mul3A_348 = vector.broadcast %mul3A_347 : f32 to vector<16xf32>
        %mul3A_349 = arith.mulf %mul3A_348, %add3A_322 : vector<16xf32>
        %mul3A_350 = arith.mulf %mul3A_349, %mul3A_346 : vector<16xf32>
        %mul3A_351 = arith.mulf %mul3A_350, %mul3A_346 : vector<16xf32>
        %sub3A_352 = arith.constant 1.500000e+00 : f32
        %sub3A_353 = vector.broadcast %sub3A_352 : f32 to vector<16xf32>
        %sub3A_354 = arith.subf %sub3A_353, %mul3A_351 : vector<16xf32>
        %mul3A_355 = arith.mulf %mul3A_346, %sub3A_354 : vector<16xf32>
        %mul3A_356 = arith.mulf %add3A_322, %mul3A_355 : vector<16xf32>
        %add3A_357 = arith.addf %gather3A_301, %gather3A_306 : vector<16xf32>
        %mul3A_358 = arith.constant 5.000000e-01 : f32
        %mul3A_359 = vector.broadcast %mul3A_358 : f32 to vector<16xf32>
        %mul3A_360 = arith.mulf %mul3A_359, %add3A_357 : vector<16xf32>
        %mul3A_361 = arith.mulf %mul3A_360, %mul3A_360 : vector<16xf32>
        %mul3A_362 = arith.mulf %mul3A_361, %mul3A_361 : vector<16xf32>
        %mul3A_363 = arith.mulf %mul3A_362, %mul3A_361 : vector<16xf32>
        %mul3A_364 = arith.mulf %max3A_318, %max3A_318 : vector<16xf32>
        %mul3A_365 = arith.mulf %mul3A_364, %max3A_318 : vector<16xf32>
        %div3A = arith.divf %mul3A_363, %mul3A_365 : vector<16xf32>
        %mul3A_366 = arith.constant 4.000000e+00 : f32
        %mul3A_367 = vector.broadcast %mul3A_366 : f32 to vector<16xf32>
        %mul3A_368 = arith.mulf %mul3A_367, %mul3A_356 : vector<16xf32>
        %mul3A_369 = arith.mulf %div3A, %div3A : vector<16xf32>
        %sub3A_370 = arith.subf %mul3A_369, %div3A : vector<16xf32>
        %mul3A_371 = arith.mulf %mul3A_368, %sub3A_370 : vector<16xf32>
        tpu.vector_store_idx %arg17[%iota3A, %get3A_297], %mul3A_371 {add = true} : memref<16x1024xf32, #tpu.memory_space<vmem>>[vector<16xi32>, vector<16xi32>], vector<16xf32>,
        %scan3A_372 = arith.constant 0 : i32
        scf.yield %scan3A_372 : i32
      }
      %scan3A_265 = arith.constant 50 : i32
      %add3A_266 = arith.constant 3 : i32
      %add3A_267 = arith.addi %mul3A_187, %add3A_266 : i32
      %mul3A_268 = arith.constant 800 : i32
      %mul3A_269 = arith.muli %add3A_267, %mul3A_268 : i32
      %add3A_270 = arith.addi %mul3A_2, %mul3A_269 : i32
      %dma_start3A_271 = tpu.memref_slice %arg5[%add3A_270] : memref<3200000xi32, #tpu.memory_space<hbm>> -> memref<800xi32, #tpu.memory_space<hbm>>
      %dma_start3A_272 = tpu.memref_slice %arg5[%add3A_270] : memref<3200000xi32, #tpu.memory_space<hbm>> -> memref<800xi32, #tpu.memory_space<hbm>>
      tpu.enqueue_dma source(%dma_start3A_272 : memref<800xi32, #tpu.memory_space<hbm>>) target(%arg12 : memref<800xi32, #tpu.memory_space<vmem>>) target_semaphore(%arg27 : memref<!tpu.dma_semaphore, #tpu.memory_space<semaphore_mem>>)
      %add3A_273 = arith.constant 3 : i32
      %add3A_274 = arith.addi %mul3A_187, %add3A_273 : i32
      %mul3A_275 = arith.constant 800 : i32
      %mul3A_276 = arith.muli %add3A_274, %mul3A_275 : i32
      %add3A_277 = arith.addi %mul3A_2, %mul3A_276 : i32
      %dma_wait3A_278 = tpu.memref_slice %arg3[%add3A_277] : memref<3200000xi32, #tpu.memory_space<hbm>> -> memref<800xi32, #tpu.memory_space<hbm>>
      %dma_wait3A_279 = tpu.memref_slice %arg3[%add3A_277] : memref<3200000xi32, #tpu.memory_space<hbm>> -> memref<800xi32, #tpu.memory_space<hbm>>
      tpu.wait_dma2 semaphore(%arg25 : memref<!tpu.dma_semaphore, #tpu.memory_space<semaphore_mem>>) src(%dma_wait3A_279 : memref<800xi32, #tpu.memory_space<hbm>>) dst(%arg8 : memref<800xi32, #tpu.memory_space<vmem>>)
      %dma_wait3A_280 = tpu.memref_slice %arg4[%add3A_277] : memref<3200000xi32, #tpu.memory_space<hbm>> -> memref<800xi32, #tpu.memory_space<hbm>>
      %dma_wait3A_281 = tpu.memref_slice %arg4[%add3A_277] : memref<3200000xi32, #tpu.memory_space<hbm>> -> memref<800xi32, #tpu.memory_space<hbm>>
      tpu.wait_dma2 semaphore(%arg25 : memref<!tpu.dma_semaphore, #tpu.memory_space<semaphore_mem>>) src(%dma_wait3A_281 : memref<800xi32, #tpu.memory_space<hbm>>) dst(%arg10 : memref<800xi32, #tpu.memory_space<vmem>>)
      %dma_start3A_282 = arith.constant 0 : i32
      %dma_start3A_283 = arith.constant 0 : i32
      %dma_start3A_284 = tpu.memref_slice %arg21[%dma_start3A_282, %dma_start3A_283] : memref<100000x8xf32, #tpu.memory_space<vmem_shared>> -> memref<100000x8xf32, #tpu.memory_space<vmem_shared>>
      tpu.enqueue_indirect_dma source(%dma_start3A_284 : memref<100000x8xf32, #tpu.memory_space<vmem_shared>>) target(%arg14 : memref<800x8xf32, #tpu.memory_space<vmem>>) offsets(%arg8 : memref<800xi32, #tpu.memory_space<vmem>>) semaphore(%arg23 : memref<!tpu.dma_semaphore, #tpu.memory_space<semaphore_mem>>)
      %dma_start3A_285 = arith.constant 0 : i32
      %dma_start3A_286 = arith.constant 0 : i32
      %dma_start3A_287 = tpu.memref_slice %arg21[%dma_start3A_285, %dma_start3A_286] : memref<100000x8xf32, #tpu.memory_space<vmem_shared>> -> memref<100000x8xf32, #tpu.memory_space<vmem_shared>>
      tpu.enqueue_indirect_dma source(%dma_start3A_287 : memref<100000x8xf32, #tpu.memory_space<vmem_shared>>) target(%arg16 : memref<800x8xf32, #tpu.memory_space<vmem>>) offsets(%arg10 : memref<800xi32, #tpu.memory_space<vmem>>) semaphore(%arg23 : memref<!tpu.dma_semaphore, #tpu.memory_space<semaphore_mem>>)
      %scan3A_288 = arith.constant 0 : i32
      scf.yield %scan3A_288 : i32
    }
    %scan3A_97 = arith.constant 61 : i32
    %dma_wait3A_98 = arith.constant 0 : i32
    %dma_wait3A_99 = arith.constant 0 : i32
    %dma_wait3A_100 = tpu.memref_slice %arg21[%dma_wait3A_98, %dma_wait3A_99] : memref<100000x8xf32, #tpu.memory_space<vmem_shared>> -> memref<100000x8xf32, #tpu.memory_space<vmem_shared>>
    tpu.wait_indirect_dma semaphore(%arg22 : memref<!tpu.dma_semaphore, #tpu.memory_space<semaphore_mem>>) src(%dma_wait3A_100 : memref<100000x8xf32, #tpu.memory_space<vmem_shared>>) dst(%arg13 : memref<800x8xf32, #tpu.memory_space<vmem>>)
    %dma_wait3A_101 = arith.constant 0 : i32
    %dma_wait3A_102 = arith.constant 0 : i32
    %dma_wait3A_103 = tpu.memref_slice %arg21[%dma_wait3A_101, %dma_wait3A_102] : memref<100000x8xf32, #tpu.memory_space<vmem_shared>> -> memref<100000x8xf32, #tpu.memory_space<vmem_shared>>
    tpu.wait_indirect_dma semaphore(%arg22 : memref<!tpu.dma_semaphore, #tpu.memory_space<semaphore_mem>>) src(%dma_wait3A_103 : memref<100000x8xf32, #tpu.memory_space<vmem_shared>>) dst(%arg15 : memref<800x8xf32, #tpu.memory_space<vmem>>)
    %add3A_104 = arith.constant 99200 : i32
    %add3A_105 = arith.addi %mul3A_2, %add3A_104 : i32
    %dma_start3A_106 = tpu.memref_slice %arg3[%add3A_105] : memref<3200000xi32, #tpu.memory_space<hbm>> -> memref<800xi32, #tpu.memory_space<hbm>>
    %dma_start3A_107 = tpu.memref_slice %arg3[%add3A_105] : memref<3200000xi32, #tpu.memory_space<hbm>> -> memref<800xi32, #tpu.memory_space<hbm>>
    tpu.enqueue_dma source(%dma_start3A_107 : memref<800xi32, #tpu.memory_space<hbm>>) target(%arg7 : memref<800xi32, #tpu.memory_space<vmem>>) target_semaphore(%arg24 : memref<!tpu.dma_semaphore, #tpu.memory_space<semaphore_mem>>)
    %dma_start3A_108 = tpu.memref_slice %arg4[%add3A_105] : memref<3200000xi32, #tpu.memory_space<hbm>> -> memref<800xi32, #tpu.memory_space<hbm>>
    %dma_start3A_109 = tpu.memref_slice %arg4[%add3A_105] : memref<3200000xi32, #tpu.memory_space<hbm>> -> memref<800xi32, #tpu.memory_space<hbm>>
    tpu.enqueue_dma source(%dma_start3A_109 : memref<800xi32, #tpu.memory_space<hbm>>) target(%arg9 : memref<800xi32, #tpu.memory_space<vmem>>) target_semaphore(%arg24 : memref<!tpu.dma_semaphore, #tpu.memory_space<semaphore_mem>>)
    %add3A_110 = arith.constant 97600 : i32
    %add3A_111 = arith.addi %mul3A_2, %add3A_110 : i32
    %dma_wait3A_112 = tpu.memref_slice %arg5[%add3A_111] : memref<3200000xi32, #tpu.memory_space<hbm>> -> memref<800xi32, #tpu.memory_space<hbm>>
    %dma_wait3A_113 = tpu.memref_slice %arg5[%add3A_111] : memref<3200000xi32, #tpu.memory_space<hbm>> -> memref<800xi32, #tpu.memory_space<hbm>>
    tpu.wait_dma2 semaphore(%arg26 : memref<!tpu.dma_semaphore, #tpu.memory_space<semaphore_mem>>) src(%dma_wait3A_113 : memref<800xi32, #tpu.memory_space<hbm>>) dst(%arg11 : memref<800xi32, #tpu.memory_space<vmem>>)
    %scan3A_114 = arith.constant 0 : i32
    %scan3A_115 = arith.constant 0 : i32
    %scan3A_116 = arith.constant 50 : i32
    %scan3A_117 = arith.addi %scan3A_115, %scan3A_116 : i32
    %scan3A_118 = arith.constant 1 : i32
    %scan3A_119 = scf.for %scan3A_184 = %scan3A_115 to %scan3A_117 step %scan3A_118 iter_args(%scan3A_185 = %scan3A_114) -> (i32)  : i32 {
      %mul3A_186 = arith.constant 16 : i32
      %mul3A_187 = arith.muli %scan3A_184, %mul3A_186 : i32
      %add3A_188 = vector.broadcast %mul3A_187 : i32 to vector<16xi32>
      %add3A_189 = arith.addi %add3A_188, %iota3A : vector<16xi32>
      %mul3A_190 = arith.constant 16 : i32
      %mul3A_191 = arith.muli %scan3A_184, %mul3A_190 : i32
      %get3A = arith.index_cast %mul3A_191 : i32 to index
      %get3A_192 = tpu.vector_load %arg11[%get3A] {strides = array<i32>} : memref<800xi32, #tpu.memory_space<vmem>>, vector<16xi32>,
      %gather3A = tpu.vector_load_idx %arg13[%add3A_189, %broadcast_in_dim3A_36] : memref<800x8xf32, #tpu.memory_space<vmem>>[vector<16xi32>, vector<16xi32>], vector<16xf32>,
      %gather3A_193 = tpu.vector_load_idx %arg13[%add3A_189, %add3A_39] : memref<800x8xf32, #tpu.memory_space<vmem>>[vector<16xi32>, vector<16xi32>], vector<16xf32>,
      %gather3A_194 = tpu.vector_load_idx %arg13[%add3A_189, %add3A_42] : memref<800x8xf32, #tpu.memory_space<vmem>>[vector<16xi32>, vector<16xi32>], vector<16xf32>,
      %gather3A_195 = tpu.vector_load_idx %arg13[%add3A_189, %add3A_45] : memref<800x8xf32, #tpu.memory_space<vmem>>[vector<16xi32>, vector<16xi32>], vector<16xf32>,
      %gather3A_196 = tpu.vector_load_idx %arg13[%add3A_189, %add3A_48] : memref<800x8xf32, #tpu.memory_space<vmem>>[vector<16xi32>, vector<16xi32>], vector<16xf32>,
      %gather3A_197 = tpu.vector_load_idx %arg15[%add3A_189, %broadcast_in_dim3A_36] : memref<800x8xf32, #tpu.memory_space<vmem>>[vector<16xi32>, vector<16xi32>], vector<16xf32>,
      %gather3A_198 = tpu.vector_load_idx %arg15[%add3A_189, %add3A_39] : memref<800x8xf32, #tpu.memory_space<vmem>>[vector<16xi32>, vector<16xi32>], vector<16xf32>,
      %gather3A_199 = tpu.vector_load_idx %arg15[%add3A_189, %add3A_42] : memref<800x8xf32, #tpu.memory_space<vmem>>[vector<16xi32>, vector<16xi32>], vector<16xf32>,
      %gather3A_200 = tpu.vector_load_idx %arg15[%add3A_189, %add3A_45] : memref<800x8xf32, #tpu.memory_space<vmem>>[vector<16xi32>, vector<16xi32>], vector<16xf32>,
      %gather3A_201 = tpu.vector_load_idx %arg15[%add3A_189, %add3A_48] : memref<800x8xf32, #tpu.memory_space<vmem>>[vector<16xi32>, vector<16xi32>], vector<16xf32>,
      %sub3A = arith.subf %gather3A, %gather3A_197 : vector<16xf32>
      %sub3A_202 = arith.subf %gather3A_193, %gather3A_198 : vector<16xf32>
      %sub3A_203 = arith.subf %gather3A_194, %gather3A_199 : vector<16xf32>
      %mul3A_204 = arith.mulf %sub3A, %sub3A : vector<16xf32>
      %mul3A_205 = arith.mulf %sub3A_202, %sub3A_202 : vector<16xf32>
      %add3A_206 = arith.addf %mul3A_204, %mul3A_205 : vector<16xf32>
      %mul3A_207 = arith.mulf %sub3A_203, %sub3A_203 : vector<16xf32>
      %add3A_208 = arith.addf %add3A_206, %mul3A_207 : vector<16xf32>
      %add3A_209 = arith.constant 9.99999996E-13 : f32
      %add3A_210 = vector.broadcast %add3A_209 : f32 to vector<16xf32>
      %add3A_211 = arith.addf %add3A_208, %add3A_210 : vector<16xf32>
      %max3A = arith.constant 2.500000e-01 : f32
      %max3A_212 = vector.broadcast %max3A : f32 to vector<16xf32>
      %max3A_213 = arith.maximumf %add3A_211, %max3A_212 : vector<16xf32>
      %mul3A_214 = arith.mulf %gather3A_195, %gather3A_200 : vector<16xf32>
      %add3A_215 = arith.constant 9.99999996E-13 : f32
      %add3A_216 = vector.broadcast %add3A_215 : f32 to vector<16xf32>
      %add3A_217 = arith.addf %mul3A_214, %add3A_216 : vector<16xf32>
      %bitcast3A = vector.bitcast %add3A_217 : vector<16xf32> to vector<16xi32>
      %shift_right_logical3A = arith.constant 1 : i32
      %shift_right_logical3A_218 = vector.broadcast %shift_right_logical3A : i32 to vector<16xi32>
      %shift_right_logical3A_219 = arith.shrui %bitcast3A, %shift_right_logical3A_218 : vector<16xi32>
      %sub3A_220 = arith.constant 1597463007 : i32
      %sub3A_221 = vector.broadcast %sub3A_220 : i32 to vector<16xi32>
      %sub3A_222 = arith.subi %sub3A_221, %shift_right_logical3A_219 : vector<16xi32>
      %bitcast3A_223 = vector.bitcast %sub3A_222 : vector<16xi32> to vector<16xf32>
      %mul3A_224 = arith.constant 5.000000e-01 : f32
      %mul3A_225 = vector.broadcast %mul3A_224 : f32 to vector<16xf32>
      %mul3A_226 = arith.mulf %mul3A_225, %add3A_217 : vector<16xf32>
      %mul3A_227 = arith.mulf %mul3A_226, %bitcast3A_223 : vector<16xf32>
      %mul3A_228 = arith.mulf %mul3A_227, %bitcast3A_223 : vector<16xf32>
      %sub3A_229 = arith.constant 1.500000e+00 : f32
      %sub3A_230 = vector.broadcast %sub3A_229 : f32 to vector<16xf32>
      %sub3A_231 = arith.subf %sub3A_230, %mul3A_228 : vector<16xf32>
      %mul3A_232 = arith.mulf %bitcast3A_223, %sub3A_231 : vector<16xf32>
      %mul3A_233 = arith.constant 5.000000e-01 : f32
      %mul3A_234 = vector.broadcast %mul3A_233 : f32 to vector<16xf32>
      %mul3A_235 = arith.mulf %mul3A_234, %add3A_217 : vector<16xf32>
      %mul3A_236 = arith.mulf %mul3A_235, %mul3A_232 : vector<16xf32>
      %mul3A_237 = arith.mulf %mul3A_236, %mul3A_232 : vector<16xf32>
      %sub3A_238 = arith.constant 1.500000e+00 : f32
      %sub3A_239 = vector.broadcast %sub3A_238 : f32 to vector<16xf32>
      %sub3A_240 = arith.subf %sub3A_239, %mul3A_237 : vector<16xf32>
      %mul3A_241 = arith.mulf %mul3A_232, %sub3A_240 : vector<16xf32>
      %mul3A_242 = arith.constant 5.000000e-01 : f32
      %mul3A_243 = vector.broadcast %mul3A_242 : f32 to vector<16xf32>
      %mul3A_244 = arith.mulf %mul3A_243, %add3A_217 : vector<16xf32>
      %mul3A_245 = arith.mulf %mul3A_244, %mul3A_241 : vector<16xf32>
      %mul3A_246 = arith.mulf %mul3A_245, %mul3A_241 : vector<16xf32>
      %sub3A_247 = arith.constant 1.500000e+00 : f32
      %sub3A_248 = vector.broadcast %sub3A_247 : f32 to vector<16xf32>
      %sub3A_249 = arith.subf %sub3A_248, %mul3A_246 : vector<16xf32>
      %mul3A_250 = arith.mulf %mul3A_241, %sub3A_249 : vector<16xf32>
      %mul3A_251 = arith.mulf %add3A_217, %mul3A_250 : vector<16xf32>
      %add3A_252 = arith.addf %gather3A_196, %gather3A_201 : vector<16xf32>
      %mul3A_253 = arith.constant 5.000000e-01 : f32
      %mul3A_254 = vector.broadcast %mul3A_253 : f32 to vector<16xf32>
      %mul3A_255 = arith.mulf %mul3A_254, %add3A_252 : vector<16xf32>
      %mul3A_256 = arith.mulf %mul3A_255, %mul3A_255 : vector<16xf32>
      %mul3A_257 = arith.mulf %mul3A_256, %mul3A_256 : vector<16xf32>
      %mul3A_258 = arith.mulf %mul3A_257, %mul3A_256 : vector<16xf32>
      %mul3A_259 = arith.mulf %max3A_213, %max3A_213 : vector<16xf32>
      %mul3A_260 = arith.mulf %mul3A_259, %max3A_213 : vector<16xf32>
      %div3A = arith.divf %mul3A_258, %mul3A_260 : vector<16xf32>
      %mul3A_261 = arith.constant 4.000000e+00 : f32
      %mul3A_262 = vector.broadcast %mul3A_261 : f32 to vector<16xf32>
      %mul3A_263 = arith.mulf %mul3A_262, %mul3A_251 : vector<16xf32>
      %mul3A_264 = arith.mulf %div3A, %div3A : vector<16xf32>
      %sub3A_265 = arith.subf %mul3A_264, %div3A : vector<16xf32>
      %mul3A_266 = arith.mulf %mul3A_263, %sub3A_265 : vector<16xf32>
      tpu.vector_store_idx %arg17[%iota3A, %get3A_192], %mul3A_266 {add = true} : memref<16x1024xf32, #tpu.memory_space<vmem>>[vector<16xi32>, vector<16xi32>], vector<16xf32>,
      %scan3A_267 = arith.constant 0 : i32
      scf.yield %scan3A_267 : i32
    }
    %scan3A_120 = arith.constant 50 : i32
    %add3A_121 = arith.constant 99200 : i32
    %add3A_122 = arith.addi %mul3A_2, %add3A_121 : i32
    %dma_start3A_123 = tpu.memref_slice %arg5[%add3A_122] : memref<3200000xi32, #tpu.memory_space<hbm>> -> memref<800xi32, #tpu.memory_space<hbm>>
    %dma_start3A_124 = tpu.memref_slice %arg5[%add3A_122] : memref<3200000xi32, #tpu.memory_space<hbm>> -> memref<800xi32, #tpu.memory_space<hbm>>
    tpu.enqueue_dma source(%dma_start3A_124 : memref<800xi32, #tpu.memory_space<hbm>>) target(%arg11 : memref<800xi32, #tpu.memory_space<vmem>>) target_semaphore(%arg26 : memref<!tpu.dma_semaphore, #tpu.memory_space<semaphore_mem>>)
    %add3A_125 = arith.constant 99200 : i32
    %add3A_126 = arith.addi %mul3A_2, %add3A_125 : i32
    %dma_wait3A_127 = tpu.memref_slice %arg3[%add3A_126] : memref<3200000xi32, #tpu.memory_space<hbm>> -> memref<800xi32, #tpu.memory_space<hbm>>
    %dma_wait3A_128 = tpu.memref_slice %arg3[%add3A_126] : memref<3200000xi32, #tpu.memory_space<hbm>> -> memref<800xi32, #tpu.memory_space<hbm>>
    tpu.wait_dma2 semaphore(%arg24 : memref<!tpu.dma_semaphore, #tpu.memory_space<semaphore_mem>>) src(%dma_wait3A_128 : memref<800xi32, #tpu.memory_space<hbm>>) dst(%arg7 : memref<800xi32, #tpu.memory_space<vmem>>)
    %dma_wait3A_129 = tpu.memref_slice %arg4[%add3A_126] : memref<3200000xi32, #tpu.memory_space<hbm>> -> memref<800xi32, #tpu.memory_space<hbm>>
    %dma_wait3A_130 = tpu.memref_slice %arg4[%add3A_126] : memref<3200000xi32, #tpu.memory_space<hbm>> -> memref<800xi32, #tpu.memory_space<hbm>>
    tpu.wait_dma2 semaphore(%arg24 : memref<!tpu.dma_semaphore, #tpu.memory_space<semaphore_mem>>) src(%dma_wait3A_130 : memref<800xi32, #tpu.memory_space<hbm>>) dst(%arg9 : memref<800xi32, #tpu.memory_space<vmem>>)
    %dma_start3A_131 = arith.constant 0 : i32
    %dma_start3A_132 = arith.constant 0 : i32
    %dma_start3A_133 = tpu.memref_slice %arg21[%dma_start3A_131, %dma_start3A_132] : memref<100000x8xf32, #tpu.memory_space<vmem_shared>> -> memref<100000x8xf32, #tpu.memory_space<vmem_shared>>
    tpu.enqueue_indirect_dma source(%dma_start3A_133 : memref<100000x8xf32, #tpu.memory_space<vmem_shared>>) target(%arg13 : memref<800x8xf32, #tpu.memory_space<vmem>>) offsets(%arg7 : memref<800xi32, #tpu.memory_space<vmem>>) semaphore(%arg22 : memref<!tpu.dma_semaphore, #tpu.memory_space<semaphore_mem>>)
    %dma_start3A_134 = arith.constant 0 : i32
    %dma_start3A_135 = arith.constant 0 : i32
    %dma_start3A_136 = tpu.memref_slice %arg21[%dma_start3A_134, %dma_start3A_135] : memref<100000x8xf32, #tpu.memory_space<vmem_shared>> -> memref<100000x8xf32, #tpu.memory_space<vmem_shared>>
    tpu.enqueue_indirect_dma source(%dma_start3A_136 : memref<100000x8xf32, #tpu.memory_space<vmem_shared>>) target(%arg15 : memref<800x8xf32, #tpu.memory_space<vmem>>) offsets(%arg9 : memref<800xi32, #tpu.memory_space<vmem>>) semaphore(%arg22 : memref<!tpu.dma_semaphore, #tpu.memory_space<semaphore_mem>>)
    %dma_wait3A_137 = arith.constant 0 : i32
    %dma_wait3A_138 = arith.constant 0 : i32
    %dma_wait3A_139 = tpu.memref_slice %arg21[%dma_wait3A_137, %dma_wait3A_138] : memref<100000x8xf32, #tpu.memory_space<vmem_shared>> -> memref<100000x8xf32, #tpu.memory_space<vmem_shared>>
    tpu.wait_indirect_dma semaphore(%arg23 : memref<!tpu.dma_semaphore, #tpu.memory_space<semaphore_mem>>) src(%dma_wait3A_139 : memref<100000x8xf32, #tpu.memory_space<vmem_shared>>) dst(%arg14 : memref<800x8xf32, #tpu.memory_space<vmem>>)
    %dma_wait3A_140 = arith.constant 0 : i32
    %dma_wait3A_141 = arith.constant 0 : i32
    %dma_wait3A_142 = tpu.memref_slice %arg21[%dma_wait3A_140, %dma_wait3A_141] : memref<100000x8xf32, #tpu.memory_space<vmem_shared>> -> memref<100000x8xf32, #tpu.memory_space<vmem_shared>>
    tpu.wait_indirect_dma semaphore(%arg23 : memref<!tpu.dma_semaphore, #tpu.memory_space<semaphore_mem>>) src(%dma_wait3A_142 : memref<100000x8xf32, #tpu.memory_space<vmem_shared>>) dst(%arg16 : memref<800x8xf32, #tpu.memory_space<vmem>>)
    %add3A_143 = arith.constant 98400 : i32
    %add3A_144 = arith.addi %mul3A_2, %add3A_143 : i32
    %dma_wait3A_145 = tpu.memref_slice %arg5[%add3A_144] : memref<3200000xi32, #tpu.memory_space<hbm>> -> memref<800xi32, #tpu.memory_space<hbm>>
    %dma_wait3A_146 = tpu.memref_slice %arg5[%add3A_144] : memref<3200000xi32, #tpu.memory_space<hbm>> -> memref<800xi32, #tpu.memory_space<hbm>>
    tpu.wait_dma2 semaphore(%arg27 : memref<!tpu.dma_semaphore, #tpu.memory_space<semaphore_mem>>) src(%dma_wait3A_146 : memref<800xi32, #tpu.memory_space<hbm>>) dst(%arg12 : memref<800xi32, #tpu.memory_space<vmem>>)
    %scan3A_147 = arith.constant 0 : i32
    %scan3A_148 = arith.constant 0 : i32
    %scan3A_149 = arith.constant 50 : i32
    %scan3A_150 = arith.addi %scan3A_148, %scan3A_149 : i32
    %scan3A_151 = arith.constant 1 : i32
    %scan3A_152 = scf.for %scan3A_184 = %scan3A_148 to %scan3A_150 step %scan3A_151 iter_args(%scan3A_185 = %scan3A_147) -> (i32)  : i32 {
      %mul3A_186 = arith.constant 16 : i32
      %mul3A_187 = arith.muli %scan3A_184, %mul3A_186 : i32
      %add3A_188 = vector.broadcast %mul3A_187 : i32 to vector<16xi32>
      %add3A_189 = arith.addi %add3A_188, %iota3A : vector<16xi32>
      %mul3A_190 = arith.constant 16 : i32
      %mul3A_191 = arith.muli %scan3A_184, %mul3A_190 : i32
      %get3A = arith.index_cast %mul3A_191 : i32 to index
      %get3A_192 = tpu.vector_load %arg12[%get3A] {strides = array<i32>} : memref<800xi32, #tpu.memory_space<vmem>>, vector<16xi32>,
      %gather3A = tpu.vector_load_idx %arg14[%add3A_189, %broadcast_in_dim3A_36] : memref<800x8xf32, #tpu.memory_space<vmem>>[vector<16xi32>, vector<16xi32>], vector<16xf32>,
      %gather3A_193 = tpu.vector_load_idx %arg14[%add3A_189, %add3A_39] : memref<800x8xf32, #tpu.memory_space<vmem>>[vector<16xi32>, vector<16xi32>], vector<16xf32>,
      %gather3A_194 = tpu.vector_load_idx %arg14[%add3A_189, %add3A_42] : memref<800x8xf32, #tpu.memory_space<vmem>>[vector<16xi32>, vector<16xi32>], vector<16xf32>,
      %gather3A_195 = tpu.vector_load_idx %arg14[%add3A_189, %add3A_45] : memref<800x8xf32, #tpu.memory_space<vmem>>[vector<16xi32>, vector<16xi32>], vector<16xf32>,
      %gather3A_196 = tpu.vector_load_idx %arg14[%add3A_189, %add3A_48] : memref<800x8xf32, #tpu.memory_space<vmem>>[vector<16xi32>, vector<16xi32>], vector<16xf32>,
      %gather3A_197 = tpu.vector_load_idx %arg16[%add3A_189, %broadcast_in_dim3A_36] : memref<800x8xf32, #tpu.memory_space<vmem>>[vector<16xi32>, vector<16xi32>], vector<16xf32>,
      %gather3A_198 = tpu.vector_load_idx %arg16[%add3A_189, %add3A_39] : memref<800x8xf32, #tpu.memory_space<vmem>>[vector<16xi32>, vector<16xi32>], vector<16xf32>,
      %gather3A_199 = tpu.vector_load_idx %arg16[%add3A_189, %add3A_42] : memref<800x8xf32, #tpu.memory_space<vmem>>[vector<16xi32>, vector<16xi32>], vector<16xf32>,
      %gather3A_200 = tpu.vector_load_idx %arg16[%add3A_189, %add3A_45] : memref<800x8xf32, #tpu.memory_space<vmem>>[vector<16xi32>, vector<16xi32>], vector<16xf32>,
      %gather3A_201 = tpu.vector_load_idx %arg16[%add3A_189, %add3A_48] : memref<800x8xf32, #tpu.memory_space<vmem>>[vector<16xi32>, vector<16xi32>], vector<16xf32>,
      %sub3A = arith.subf %gather3A, %gather3A_197 : vector<16xf32>
      %sub3A_202 = arith.subf %gather3A_193, %gather3A_198 : vector<16xf32>
      %sub3A_203 = arith.subf %gather3A_194, %gather3A_199 : vector<16xf32>
      %mul3A_204 = arith.mulf %sub3A, %sub3A : vector<16xf32>
      %mul3A_205 = arith.mulf %sub3A_202, %sub3A_202 : vector<16xf32>
      %add3A_206 = arith.addf %mul3A_204, %mul3A_205 : vector<16xf32>
      %mul3A_207 = arith.mulf %sub3A_203, %sub3A_203 : vector<16xf32>
      %add3A_208 = arith.addf %add3A_206, %mul3A_207 : vector<16xf32>
      %add3A_209 = arith.constant 9.99999996E-13 : f32
      %add3A_210 = vector.broadcast %add3A_209 : f32 to vector<16xf32>
      %add3A_211 = arith.addf %add3A_208, %add3A_210 : vector<16xf32>
      %max3A = arith.constant 2.500000e-01 : f32
      %max3A_212 = vector.broadcast %max3A : f32 to vector<16xf32>
      %max3A_213 = arith.maximumf %add3A_211, %max3A_212 : vector<16xf32>
      %mul3A_214 = arith.mulf %gather3A_195, %gather3A_200 : vector<16xf32>
      %add3A_215 = arith.constant 9.99999996E-13 : f32
      %add3A_216 = vector.broadcast %add3A_215 : f32 to vector<16xf32>
      %add3A_217 = arith.addf %mul3A_214, %add3A_216 : vector<16xf32>
      %bitcast3A = vector.bitcast %add3A_217 : vector<16xf32> to vector<16xi32>
      %shift_right_logical3A = arith.constant 1 : i32
      %shift_right_logical3A_218 = vector.broadcast %shift_right_logical3A : i32 to vector<16xi32>
      %shift_right_logical3A_219 = arith.shrui %bitcast3A, %shift_right_logical3A_218 : vector<16xi32>
      %sub3A_220 = arith.constant 1597463007 : i32
      %sub3A_221 = vector.broadcast %sub3A_220 : i32 to vector<16xi32>
      %sub3A_222 = arith.subi %sub3A_221, %shift_right_logical3A_219 : vector<16xi32>
      %bitcast3A_223 = vector.bitcast %sub3A_222 : vector<16xi32> to vector<16xf32>
      %mul3A_224 = arith.constant 5.000000e-01 : f32
      %mul3A_225 = vector.broadcast %mul3A_224 : f32 to vector<16xf32>
      %mul3A_226 = arith.mulf %mul3A_225, %add3A_217 : vector<16xf32>
      %mul3A_227 = arith.mulf %mul3A_226, %bitcast3A_223 : vector<16xf32>
      %mul3A_228 = arith.mulf %mul3A_227, %bitcast3A_223 : vector<16xf32>
      %sub3A_229 = arith.constant 1.500000e+00 : f32
      %sub3A_230 = vector.broadcast %sub3A_229 : f32 to vector<16xf32>
      %sub3A_231 = arith.subf %sub3A_230, %mul3A_228 : vector<16xf32>
      %mul3A_232 = arith.mulf %bitcast3A_223, %sub3A_231 : vector<16xf32>
      %mul3A_233 = arith.constant 5.000000e-01 : f32
      %mul3A_234 = vector.broadcast %mul3A_233 : f32 to vector<16xf32>
      %mul3A_235 = arith.mulf %mul3A_234, %add3A_217 : vector<16xf32>
      %mul3A_236 = arith.mulf %mul3A_235, %mul3A_232 : vector<16xf32>
      %mul3A_237 = arith.mulf %mul3A_236, %mul3A_232 : vector<16xf32>
      %sub3A_238 = arith.constant 1.500000e+00 : f32
      %sub3A_239 = vector.broadcast %sub3A_238 : f32 to vector<16xf32>
      %sub3A_240 = arith.subf %sub3A_239, %mul3A_237 : vector<16xf32>
      %mul3A_241 = arith.mulf %mul3A_232, %sub3A_240 : vector<16xf32>
      %mul3A_242 = arith.constant 5.000000e-01 : f32
      %mul3A_243 = vector.broadcast %mul3A_242 : f32 to vector<16xf32>
      %mul3A_244 = arith.mulf %mul3A_243, %add3A_217 : vector<16xf32>
      %mul3A_245 = arith.mulf %mul3A_244, %mul3A_241 : vector<16xf32>
      %mul3A_246 = arith.mulf %mul3A_245, %mul3A_241 : vector<16xf32>
      %sub3A_247 = arith.constant 1.500000e+00 : f32
      %sub3A_248 = vector.broadcast %sub3A_247 : f32 to vector<16xf32>
      %sub3A_249 = arith.subf %sub3A_248, %mul3A_246 : vector<16xf32>
      %mul3A_250 = arith.mulf %mul3A_241, %sub3A_249 : vector<16xf32>
      %mul3A_251 = arith.mulf %add3A_217, %mul3A_250 : vector<16xf32>
      %add3A_252 = arith.addf %gather3A_196, %gather3A_201 : vector<16xf32>
      %mul3A_253 = arith.constant 5.000000e-01 : f32
      %mul3A_254 = vector.broadcast %mul3A_253 : f32 to vector<16xf32>
      %mul3A_255 = arith.mulf %mul3A_254, %add3A_252 : vector<16xf32>
      %mul3A_256 = arith.mulf %mul3A_255, %mul3A_255 : vector<16xf32>
      %mul3A_257 = arith.mulf %mul3A_256, %mul3A_256 : vector<16xf32>
      %mul3A_258 = arith.mulf %mul3A_257, %mul3A_256 : vector<16xf32>
      %mul3A_259 = arith.mulf %max3A_213, %max3A_213 : vector<16xf32>
      %mul3A_260 = arith.mulf %mul3A_259, %max3A_213 : vector<16xf32>
      %div3A = arith.divf %mul3A_258, %mul3A_260 : vector<16xf32>
      %mul3A_261 = arith.constant 4.000000e+00 : f32
      %mul3A_262 = vector.broadcast %mul3A_261 : f32 to vector<16xf32>
      %mul3A_263 = arith.mulf %mul3A_262, %mul3A_251 : vector<16xf32>
      %mul3A_264 = arith.mulf %div3A, %div3A : vector<16xf32>
      %sub3A_265 = arith.subf %mul3A_264, %div3A : vector<16xf32>
      %mul3A_266 = arith.mulf %mul3A_263, %sub3A_265 : vector<16xf32>
      tpu.vector_store_idx %arg17[%iota3A, %get3A_192], %mul3A_266 {add = true} : memref<16x1024xf32, #tpu.memory_space<vmem>>[vector<16xi32>, vector<16xi32>], vector<16xf32>,
      %scan3A_267 = arith.constant 0 : i32
      scf.yield %scan3A_267 : i32
    }
    %scan3A_153 = arith.constant 50 : i32
    %dma_wait3A_154 = arith.constant 0 : i32
    %dma_wait3A_155 = arith.constant 0 : i32
    %dma_wait3A_156 = tpu.memref_slice %arg21[%dma_wait3A_154, %dma_wait3A_155] : memref<100000x8xf32, #tpu.memory_space<vmem_shared>> -> memref<100000x8xf32, #tpu.memory_space<vmem_shared>>
    tpu.wait_indirect_dma semaphore(%arg22 : memref<!tpu.dma_semaphore, #tpu.memory_space<semaphore_mem>>) src(%dma_wait3A_156 : memref<100000x8xf32, #tpu.memory_space<vmem_shared>>) dst(%arg13 : memref<800x8xf32, #tpu.memory_space<vmem>>)
    %dma_wait3A_157 = arith.constant 0 : i32
    %dma_wait3A_158 = arith.constant 0 : i32
    %dma_wait3A_159 = tpu.memref_slice %arg21[%dma_wait3A_157, %dma_wait3A_158] : memref<100000x8xf32, #tpu.memory_space<vmem_shared>> -> memref<100000x8xf32, #tpu.memory_space<vmem_shared>>
    tpu.wait_indirect_dma semaphore(%arg22 : memref<!tpu.dma_semaphore, #tpu.memory_space<semaphore_mem>>) src(%dma_wait3A_159 : memref<100000x8xf32, #tpu.memory_space<vmem_shared>>) dst(%arg15 : memref<800x8xf32, #tpu.memory_space<vmem>>)
    %add3A_160 = arith.constant 99200 : i32
    %add3A_161 = arith.addi %mul3A_2, %add3A_160 : i32
    %dma_wait3A_162 = tpu.memref_slice %arg5[%add3A_161] : memref<3200000xi32, #tpu.memory_space<hbm>> -> memref<800xi32, #tpu.memory_space<hbm>>
    %dma_wait3A_163 = tpu.memref_slice %arg5[%add3A_161] : memref<3200000xi32, #tpu.memory_space<hbm>> -> memref<800xi32, #tpu.memory_space<hbm>>
    tpu.wait_dma2 semaphore(%arg26 : memref<!tpu.dma_semaphore, #tpu.memory_space<semaphore_mem>>) src(%dma_wait3A_163 : memref<800xi32, #tpu.memory_space<hbm>>) dst(%arg11 : memref<800xi32, #tpu.memory_space<vmem>>)
    %scan3A_164 = arith.constant 0 : i32
    %scan3A_165 = arith.constant 0 : i32
    %scan3A_166 = arith.constant 50 : i32
    %scan3A_167 = arith.addi %scan3A_165, %scan3A_166 : i32
    %scan3A_168 = arith.constant 1 : i32
    %scan3A_169 = scf.for %scan3A_184 = %scan3A_165 to %scan3A_167 step %scan3A_168 iter_args(%scan3A_185 = %scan3A_164) -> (i32)  : i32 {
      %mul3A_186 = arith.constant 16 : i32
      %mul3A_187 = arith.muli %scan3A_184, %mul3A_186 : i32
      %add3A_188 = vector.broadcast %mul3A_187 : i32 to vector<16xi32>
      %add3A_189 = arith.addi %add3A_188, %iota3A : vector<16xi32>
      %mul3A_190 = arith.constant 16 : i32
      %mul3A_191 = arith.muli %scan3A_184, %mul3A_190 : i32
      %get3A = arith.index_cast %mul3A_191 : i32 to index
      %get3A_192 = tpu.vector_load %arg11[%get3A] {strides = array<i32>} : memref<800xi32, #tpu.memory_space<vmem>>, vector<16xi32>,
      %gather3A = tpu.vector_load_idx %arg13[%add3A_189, %broadcast_in_dim3A_36] : memref<800x8xf32, #tpu.memory_space<vmem>>[vector<16xi32>, vector<16xi32>], vector<16xf32>,
      %gather3A_193 = tpu.vector_load_idx %arg13[%add3A_189, %add3A_39] : memref<800x8xf32, #tpu.memory_space<vmem>>[vector<16xi32>, vector<16xi32>], vector<16xf32>,
      %gather3A_194 = tpu.vector_load_idx %arg13[%add3A_189, %add3A_42] : memref<800x8xf32, #tpu.memory_space<vmem>>[vector<16xi32>, vector<16xi32>], vector<16xf32>,
      %gather3A_195 = tpu.vector_load_idx %arg13[%add3A_189, %add3A_45] : memref<800x8xf32, #tpu.memory_space<vmem>>[vector<16xi32>, vector<16xi32>], vector<16xf32>,
      %gather3A_196 = tpu.vector_load_idx %arg13[%add3A_189, %add3A_48] : memref<800x8xf32, #tpu.memory_space<vmem>>[vector<16xi32>, vector<16xi32>], vector<16xf32>,
      %gather3A_197 = tpu.vector_load_idx %arg15[%add3A_189, %broadcast_in_dim3A_36] : memref<800x8xf32, #tpu.memory_space<vmem>>[vector<16xi32>, vector<16xi32>], vector<16xf32>,
      %gather3A_198 = tpu.vector_load_idx %arg15[%add3A_189, %add3A_39] : memref<800x8xf32, #tpu.memory_space<vmem>>[vector<16xi32>, vector<16xi32>], vector<16xf32>,
      %gather3A_199 = tpu.vector_load_idx %arg15[%add3A_189, %add3A_42] : memref<800x8xf32, #tpu.memory_space<vmem>>[vector<16xi32>, vector<16xi32>], vector<16xf32>,
      %gather3A_200 = tpu.vector_load_idx %arg15[%add3A_189, %add3A_45] : memref<800x8xf32, #tpu.memory_space<vmem>>[vector<16xi32>, vector<16xi32>], vector<16xf32>,
      %gather3A_201 = tpu.vector_load_idx %arg15[%add3A_189, %add3A_48] : memref<800x8xf32, #tpu.memory_space<vmem>>[vector<16xi32>, vector<16xi32>], vector<16xf32>,
      %sub3A = arith.subf %gather3A, %gather3A_197 : vector<16xf32>
      %sub3A_202 = arith.subf %gather3A_193, %gather3A_198 : vector<16xf32>
      %sub3A_203 = arith.subf %gather3A_194, %gather3A_199 : vector<16xf32>
      %mul3A_204 = arith.mulf %sub3A, %sub3A : vector<16xf32>
      %mul3A_205 = arith.mulf %sub3A_202, %sub3A_202 : vector<16xf32>
      %add3A_206 = arith.addf %mul3A_204, %mul3A_205 : vector<16xf32>
      %mul3A_207 = arith.mulf %sub3A_203, %sub3A_203 : vector<16xf32>
      %add3A_208 = arith.addf %add3A_206, %mul3A_207 : vector<16xf32>
      %add3A_209 = arith.constant 9.99999996E-13 : f32
      %add3A_210 = vector.broadcast %add3A_209 : f32 to vector<16xf32>
      %add3A_211 = arith.addf %add3A_208, %add3A_210 : vector<16xf32>
      %max3A = arith.constant 2.500000e-01 : f32
      %max3A_212 = vector.broadcast %max3A : f32 to vector<16xf32>
      %max3A_213 = arith.maximumf %add3A_211, %max3A_212 : vector<16xf32>
      %mul3A_214 = arith.mulf %gather3A_195, %gather3A_200 : vector<16xf32>
      %add3A_215 = arith.constant 9.99999996E-13 : f32
      %add3A_216 = vector.broadcast %add3A_215 : f32 to vector<16xf32>
      %add3A_217 = arith.addf %mul3A_214, %add3A_216 : vector<16xf32>
      %bitcast3A = vector.bitcast %add3A_217 : vector<16xf32> to vector<16xi32>
      %shift_right_logical3A = arith.constant 1 : i32
      %shift_right_logical3A_218 = vector.broadcast %shift_right_logical3A : i32 to vector<16xi32>
      %shift_right_logical3A_219 = arith.shrui %bitcast3A, %shift_right_logical3A_218 : vector<16xi32>
      %sub3A_220 = arith.constant 1597463007 : i32
      %sub3A_221 = vector.broadcast %sub3A_220 : i32 to vector<16xi32>
      %sub3A_222 = arith.subi %sub3A_221, %shift_right_logical3A_219 : vector<16xi32>
      %bitcast3A_223 = vector.bitcast %sub3A_222 : vector<16xi32> to vector<16xf32>
      %mul3A_224 = arith.constant 5.000000e-01 : f32
      %mul3A_225 = vector.broadcast %mul3A_224 : f32 to vector<16xf32>
      %mul3A_226 = arith.mulf %mul3A_225, %add3A_217 : vector<16xf32>
      %mul3A_227 = arith.mulf %mul3A_226, %bitcast3A_223 : vector<16xf32>
      %mul3A_228 = arith.mulf %mul3A_227, %bitcast3A_223 : vector<16xf32>
      %sub3A_229 = arith.constant 1.500000e+00 : f32
      %sub3A_230 = vector.broadcast %sub3A_229 : f32 to vector<16xf32>
      %sub3A_231 = arith.subf %sub3A_230, %mul3A_228 : vector<16xf32>
      %mul3A_232 = arith.mulf %bitcast3A_223, %sub3A_231 : vector<16xf32>
      %mul3A_233 = arith.constant 5.000000e-01 : f32
      %mul3A_234 = vector.broadcast %mul3A_233 : f32 to vector<16xf32>
      %mul3A_235 = arith.mulf %mul3A_234, %add3A_217 : vector<16xf32>
      %mul3A_236 = arith.mulf %mul3A_235, %mul3A_232 : vector<16xf32>
      %mul3A_237 = arith.mulf %mul3A_236, %mul3A_232 : vector<16xf32>
      %sub3A_238 = arith.constant 1.500000e+00 : f32
      %sub3A_239 = vector.broadcast %sub3A_238 : f32 to vector<16xf32>
      %sub3A_240 = arith.subf %sub3A_239, %mul3A_237 : vector<16xf32>
      %mul3A_241 = arith.mulf %mul3A_232, %sub3A_240 : vector<16xf32>
      %mul3A_242 = arith.constant 5.000000e-01 : f32
      %mul3A_243 = vector.broadcast %mul3A_242 : f32 to vector<16xf32>
      %mul3A_244 = arith.mulf %mul3A_243, %add3A_217 : vector<16xf32>
      %mul3A_245 = arith.mulf %mul3A_244, %mul3A_241 : vector<16xf32>
      %mul3A_246 = arith.mulf %mul3A_245, %mul3A_241 : vector<16xf32>
      %sub3A_247 = arith.constant 1.500000e+00 : f32
      %sub3A_248 = vector.broadcast %sub3A_247 : f32 to vector<16xf32>
      %sub3A_249 = arith.subf %sub3A_248, %mul3A_246 : vector<16xf32>
      %mul3A_250 = arith.mulf %mul3A_241, %sub3A_249 : vector<16xf32>
      %mul3A_251 = arith.mulf %add3A_217, %mul3A_250 : vector<16xf32>
      %add3A_252 = arith.addf %gather3A_196, %gather3A_201 : vector<16xf32>
      %mul3A_253 = arith.constant 5.000000e-01 : f32
      %mul3A_254 = vector.broadcast %mul3A_253 : f32 to vector<16xf32>
      %mul3A_255 = arith.mulf %mul3A_254, %add3A_252 : vector<16xf32>
      %mul3A_256 = arith.mulf %mul3A_255, %mul3A_255 : vector<16xf32>
      %mul3A_257 = arith.mulf %mul3A_256, %mul3A_256 : vector<16xf32>
      %mul3A_258 = arith.mulf %mul3A_257, %mul3A_256 : vector<16xf32>
      %mul3A_259 = arith.mulf %max3A_213, %max3A_213 : vector<16xf32>
      %mul3A_260 = arith.mulf %mul3A_259, %max3A_213 : vector<16xf32>
      %div3A = arith.divf %mul3A_258, %mul3A_260 : vector<16xf32>
      %mul3A_261 = arith.constant 4.000000e+00 : f32
      %mul3A_262 = vector.broadcast %mul3A_261 : f32 to vector<16xf32>
      %mul3A_263 = arith.mulf %mul3A_262, %mul3A_251 : vector<16xf32>
      %mul3A_264 = arith.mulf %div3A, %div3A : vector<16xf32>
      %sub3A_265 = arith.subf %mul3A_264, %div3A : vector<16xf32>
      %mul3A_266 = arith.mulf %mul3A_263, %sub3A_265 : vector<16xf32>
      tpu.vector_store_idx %arg17[%iota3A, %get3A_192], %mul3A_266 {add = true} : memref<16x1024xf32, #tpu.memory_space<vmem>>[vector<16xi32>, vector<16xi32>], vector<16xf32>,
      %scan3A_267 = arith.constant 0 : i32
      scf.yield %scan3A_267 : i32
    }
    %scan3A_170 = arith.constant 50 : i32
    %scan3A_171 = arith.constant 0 : i32
    %scan3A_172 = arith.constant 0 : i32
    %scan3A_173 = arith.constant 64 : i32
    %scan3A_174 = arith.addi %scan3A_172, %scan3A_173 : i32
    %scan3A_175 = arith.constant 1 : i32
    %scan3A_176 = scf.for %scan3A_184 = %scan3A_172 to %scan3A_174 step %scan3A_175 iter_args(%scan3A_185 = %scan3A_171) -> (i32)  : i32 {
      %mul3A_186 = arith.constant 16 : i32
      %mul3A_187 = arith.muli %scan3A_184, %mul3A_186 : i32
      %get3A = arith.constant 0 : i32
      %get3A_188 = arith.index_cast %get3A : i32 to index
      %get3A_189 = arith.index_cast %mul3A_187 : i32 to index
      %get3A_190 = tpu.vector_load %arg17[%get3A_188, %get3A_189] {strides = array<i32>} : memref<16x1024xf32, #tpu.memory_space<vmem>>, vector<16xf32>,
      %mul3A_191 = arith.constant 16 : i32
      %mul3A_192 = arith.muli %scan3A_184, %mul3A_191 : i32
      %get3A_193 = arith.constant 1 : i32
      %get3A_194 = arith.index_cast %get3A_193 : i32 to index
      %get3A_195 = arith.index_cast %mul3A_192 : i32 to index
      %get3A_196 = tpu.vector_load %arg17[%get3A_194, %get3A_195] {strides = array<i32>} : memref<16x1024xf32, #tpu.memory_space<vmem>>, vector<16xf32>,
      %add3A_197 = arith.addf %get3A_190, %get3A_196 : vector<16xf32>
      %mul3A_198 = arith.constant 16 : i32
      %mul3A_199 = arith.muli %scan3A_184, %mul3A_198 : i32
      %get3A_200 = arith.constant 2 : i32
      %get3A_201 = arith.index_cast %get3A_200 : i32 to index
      %get3A_202 = arith.index_cast %mul3A_199 : i32 to index
      %get3A_203 = tpu.vector_load %arg17[%get3A_201, %get3A_202] {strides = array<i32>} : memref<16x1024xf32, #tpu.memory_space<vmem>>, vector<16xf32>,
      %add3A_204 = arith.addf %add3A_197, %get3A_203 : vector<16xf32>
      %mul3A_205 = arith.constant 16 : i32
      %mul3A_206 = arith.muli %scan3A_184, %mul3A_205 : i32
      %get3A_207 = arith.constant 3 : i32
      %get3A_208 = arith.index_cast %get3A_207 : i32 to index
      %get3A_209 = arith.index_cast %mul3A_206 : i32 to index
      %get3A_210 = tpu.vector_load %arg17[%get3A_208, %get3A_209] {strides = array<i32>} : memref<16x1024xf32, #tpu.memory_space<vmem>>, vector<16xf32>,
      %add3A_211 = arith.addf %add3A_204, %get3A_210 : vector<16xf32>
      %mul3A_212 = arith.constant 16 : i32
      %mul3A_213 = arith.muli %scan3A_184, %mul3A_212 : i32
      %get3A_214 = arith.constant 4 : i32
      %get3A_215 = arith.index_cast %get3A_214 : i32 to index
      %get3A_216 = arith.index_cast %mul3A_213 : i32 to index
      %get3A_217 = tpu.vector_load %arg17[%get3A_215, %get3A_216] {strides = array<i32>} : memref<16x1024xf32, #tpu.memory_space<vmem>>, vector<16xf32>,
      %add3A_218 = arith.addf %add3A_211, %get3A_217 : vector<16xf32>
      %mul3A_219 = arith.constant 16 : i32
      %mul3A_220 = arith.muli %scan3A_184, %mul3A_219 : i32
      %get3A_221 = arith.constant 5 : i32
      %get3A_222 = arith.index_cast %get3A_221 : i32 to index
      %get3A_223 = arith.index_cast %mul3A_220 : i32 to index
      %get3A_224 = tpu.vector_load %arg17[%get3A_222, %get3A_223] {strides = array<i32>} : memref<16x1024xf32, #tpu.memory_space<vmem>>, vector<16xf32>,
      %add3A_225 = arith.addf %add3A_218, %get3A_224 : vector<16xf32>
      %mul3A_226 = arith.constant 16 : i32
      %mul3A_227 = arith.muli %scan3A_184, %mul3A_226 : i32
      %get3A_228 = arith.constant 6 : i32
      %get3A_229 = arith.index_cast %get3A_228 : i32 to index
      %get3A_230 = arith.index_cast %mul3A_227 : i32 to index
      %get3A_231 = tpu.vector_load %arg17[%get3A_229, %get3A_230] {strides = array<i32>} : memref<16x1024xf32, #tpu.memory_space<vmem>>, vector<16xf32>,
      %add3A_232 = arith.addf %add3A_225, %get3A_231 : vector<16xf32>
      %mul3A_233 = arith.constant 16 : i32
      %mul3A_234 = arith.muli %scan3A_184, %mul3A_233 : i32
      %get3A_235 = arith.constant 7 : i32
      %get3A_236 = arith.index_cast %get3A_235 : i32 to index
      %get3A_237 = arith.index_cast %mul3A_234 : i32 to index
      %get3A_238 = tpu.vector_load %arg17[%get3A_236, %get3A_237] {strides = array<i32>} : memref<16x1024xf32, #tpu.memory_space<vmem>>, vector<16xf32>,
      %add3A_239 = arith.addf %add3A_232, %get3A_238 : vector<16xf32>
      %mul3A_240 = arith.constant 16 : i32
      %mul3A_241 = arith.muli %scan3A_184, %mul3A_240 : i32
      %get3A_242 = arith.constant 8 : i32
      %get3A_243 = arith.index_cast %get3A_242 : i32 to index
      %get3A_244 = arith.index_cast %mul3A_241 : i32 to index
      %get3A_245 = tpu.vector_load %arg17[%get3A_243, %get3A_244] {strides = array<i32>} : memref<16x1024xf32, #tpu.memory_space<vmem>>, vector<16xf32>,
      %add3A_246 = arith.addf %add3A_239, %get3A_245 : vector<16xf32>
      %mul3A_247 = arith.constant 16 : i32
      %mul3A_248 = arith.muli %scan3A_184, %mul3A_247 : i32
      %get3A_249 = arith.constant 9 : i32
      %get3A_250 = arith.index_cast %get3A_249 : i32 to index
      %get3A_251 = arith.index_cast %mul3A_248 : i32 to index
      %get3A_252 = tpu.vector_load %arg17[%get3A_250, %get3A_251] {strides = array<i32>} : memref<16x1024xf32, #tpu.memory_space<vmem>>, vector<16xf32>,
      %add3A_253 = arith.addf %add3A_246, %get3A_252 : vector<16xf32>
      %mul3A_254 = arith.constant 16 : i32
      %mul3A_255 = arith.muli %scan3A_184, %mul3A_254 : i32
      %get3A_256 = arith.constant 10 : i32
      %get3A_257 = arith.index_cast %get3A_256 : i32 to index
      %get3A_258 = arith.index_cast %mul3A_255 : i32 to index
      %get3A_259 = tpu.vector_load %arg17[%get3A_257, %get3A_258] {strides = array<i32>} : memref<16x1024xf32, #tpu.memory_space<vmem>>, vector<16xf32>,
      %add3A_260 = arith.addf %add3A_253, %get3A_259 : vector<16xf32>
      %mul3A_261 = arith.constant 16 : i32
      %mul3A_262 = arith.muli %scan3A_184, %mul3A_261 : i32
      %get3A_263 = arith.constant 11 : i32
      %get3A_264 = arith.index_cast %get3A_263 : i32 to index
      %get3A_265 = arith.index_cast %mul3A_262 : i32 to index
      %get3A_266 = tpu.vector_load %arg17[%get3A_264, %get3A_265] {strides = array<i32>} : memref<16x1024xf32, #tpu.memory_space<vmem>>, vector<16xf32>,
      %add3A_267 = arith.addf %add3A_260, %get3A_266 : vector<16xf32>
      %mul3A_268 = arith.constant 16 : i32
      %mul3A_269 = arith.muli %scan3A_184, %mul3A_268 : i32
      %get3A_270 = arith.constant 12 : i32
      %get3A_271 = arith.index_cast %get3A_270 : i32 to index
      %get3A_272 = arith.index_cast %mul3A_269 : i32 to index
      %get3A_273 = tpu.vector_load %arg17[%get3A_271, %get3A_272] {strides = array<i32>} : memref<16x1024xf32, #tpu.memory_space<vmem>>, vector<16xf32>,
      %add3A_274 = arith.addf %add3A_267, %get3A_273 : vector<16xf32>
      %mul3A_275 = arith.constant 16 : i32
      %mul3A_276 = arith.muli %scan3A_184, %mul3A_275 : i32
      %get3A_277 = arith.constant 13 : i32
      %get3A_278 = arith.index_cast %get3A_277 : i32 to index
      %get3A_279 = arith.index_cast %mul3A_276 : i32 to index
      %get3A_280 = tpu.vector_load %arg17[%get3A_278, %get3A_279] {strides = array<i32>} : memref<16x1024xf32, #tpu.memory_space<vmem>>, vector<16xf32>,
      %add3A_281 = arith.addf %add3A_274, %get3A_280 : vector<16xf32>
      %mul3A_282 = arith.constant 16 : i32
      %mul3A_283 = arith.muli %scan3A_184, %mul3A_282 : i32
      %get3A_284 = arith.constant 14 : i32
      %get3A_285 = arith.index_cast %get3A_284 : i32 to index
      %get3A_286 = arith.index_cast %mul3A_283 : i32 to index
      %get3A_287 = tpu.vector_load %arg17[%get3A_285, %get3A_286] {strides = array<i32>} : memref<16x1024xf32, #tpu.memory_space<vmem>>, vector<16xf32>,
      %add3A_288 = arith.addf %add3A_281, %get3A_287 : vector<16xf32>
      %mul3A_289 = arith.constant 16 : i32
      %mul3A_290 = arith.muli %scan3A_184, %mul3A_289 : i32
      %get3A_291 = arith.constant 15 : i32
      %get3A_292 = arith.index_cast %get3A_291 : i32 to index
      %get3A_293 = arith.index_cast %mul3A_290 : i32 to index
      %get3A_294 = tpu.vector_load %arg17[%get3A_292, %get3A_293] {strides = array<i32>} : memref<16x1024xf32, #tpu.memory_space<vmem>>, vector<16xf32>,
      %add3A_295 = arith.addf %add3A_288, %get3A_294 : vector<16xf32>
      %swap3A_296 = arith.index_cast %scan3A_184 : i32 to index
      %swap3A_297 = arith.constant 0 : index
      %swap3A_298 = tpu.vector_load %arg18[%swap3A_296, %swap3A_297] {strides = array<i32>} : memref<64x16xf32, #tpu.memory_space<vmem>>, vector<16xf32>,
      tpu.vector_store %arg18[%swap3A_296, %swap3A_297], %add3A_295 {strides = array<i32>} : memref<64x16xf32, #tpu.memory_space<vmem>>, vector<16xf32>,
      %scan3A_299 = arith.constant 0 : i32
      scf.yield %scan3A_299 : i32
    }
    %scan3A_177 = arith.constant 64 : i32
    "tpu.region"() ({
      %run_scoped3A = tpu.sem_alloc : memref<!tpu.dma_semaphore, #tpu.memory_space<semaphore_mem>>
      %dma_start3A_184 = arith.constant 0 : i32
      %dma_start3A_185 = arith.constant 0 : i32
      %dma_start3A_186 = tpu.memref_slice %arg20[%dma_start3A_184, %dma_start3A_185] : memref<64x16xf32, #tpu.memory_space<vmem_shared>> -> memref<64x16xf32, #tpu.memory_space<vmem_shared>>
      tpu.enqueue_indirect_dma source(%arg18 : memref<64x16xf32, #tpu.memory_space<vmem>>) target(%dma_start3A_186 : memref<64x16xf32, #tpu.memory_space<vmem_shared>>) offsets(%arg19 : memref<64xi32, #tpu.memory_space<vmem>>) semaphore(%run_scoped3A : memref<!tpu.dma_semaphore, #tpu.memory_space<semaphore_mem>>) {add = true}
      %dma_wait3A_187 = arith.constant 0 : i32
      %dma_wait3A_188 = arith.constant 0 : i32
      %dma_wait3A_189 = tpu.memref_slice %arg20[%dma_wait3A_187, %dma_wait3A_188] : memref<64x16xf32, #tpu.memory_space<vmem_shared>> -> memref<64x16xf32, #tpu.memory_space<vmem_shared>>
      tpu.wait_indirect_dma semaphore(%run_scoped3A : memref<!tpu.dma_semaphore, #tpu.memory_space<semaphore_mem>>) src(%arg18 : memref<64x16xf32, #tpu.memory_space<vmem>>) dst(%dma_wait3A_189 : memref<64x16xf32, #tpu.memory_space<vmem_shared>>)
      tpu.yield
    }) : () -> ()
    %barrier3A_178 = arith.constant 0 : index
    tpu.barrier barrier_id(%barrier3A_178)
    %eq3A_179 = arith.constant 0 : i32
    %eq3A_180 = arith.cmpi eq, %arg1, %eq3A_179 : i32
    %convert_element_type3A_181 = arith.extui %eq3A_180 : i1 to i32
    %cond3A_182 = arith.constant 0 : i32
    %cond3A_183 = arith.cmpi ne, %convert_element_type3A_181, %cond3A_182 : i32
    scf.if %cond3A_183 {
      "tpu.region"() ({
        %run_scoped3A = tpu.sem_alloc : memref<!tpu.dma_semaphore, #tpu.memory_space<semaphore_mem>>
        %dma_start3A_184 = arith.constant 0 : i32
        %dma_start3A_185 = arith.constant 0 : i32
        %dma_start3A_186 = tpu.memref_slice %arg6[%arg0, %dma_start3A_184, %dma_start3A_185] : memref<2x64x16xf32, #tpu.memory_space<hbm>> -> memref<1x64x16xf32, #tpu.memory_space<hbm>>
        %dma_start3A_187 = tpu.memref_squeeze %dma_start3A_186 : memref<1x64x16xf32, #tpu.memory_space<hbm>> -> memref<64x16xf32, #tpu.memory_space<hbm>>
        tpu.enqueue_dma source(%arg20 : memref<64x16xf32, #tpu.memory_space<vmem_shared>>) target(%dma_start3A_187 : memref<64x16xf32, #tpu.memory_space<hbm>>) target_semaphore(%run_scoped3A : memref<!tpu.dma_semaphore, #tpu.memory_space<semaphore_mem>>)
        %dma_wait3A_188 = arith.constant 0 : i32
        %dma_wait3A_189 = arith.constant 0 : i32
        %dma_wait3A_190 = tpu.memref_slice %arg6[%arg0, %dma_wait3A_188, %dma_wait3A_189] : memref<2x64x16xf32, #tpu.memory_space<hbm>> -> memref<1x64x16xf32, #tpu.memory_space<hbm>>
        %dma_wait3A_191 = tpu.memref_squeeze %dma_wait3A_190 : memref<1x64x16xf32, #tpu.memory_space<hbm>> -> memref<64x16xf32, #tpu.memory_space<hbm>>
        tpu.wait_dma2 semaphore(%run_scoped3A : memref<!tpu.dma_semaphore, #tpu.memory_space<semaphore_mem>>) src(%arg20 : memref<64x16xf32, #tpu.memory_space<vmem_shared>>) dst(%dma_wait3A_191 : memref<64x16xf32, #tpu.memory_space<hbm>>)
        tpu.yield
      }) : () -> ()
    } else {
    }
    return
  }
}

</mosaic_0001>

<sc_bundles>
// kernel: _run.3.cloned.1.call-start
scs
__scs_entry_jumppad:
0x0: {  	(pc) =	sbr.rel $0x88, $3  }
0x1: {  	(tag) =	ssettag $0x0;
	lr =	simm.s32 $0x1  }
0x2: {  	[smem:$0x3F9D] =	sst lr;
	_ =	strace $0xD0000000  }
0x3: {  	_ = 	snop  }
0x4: {  	_ = 	snop  }
0x5: {  	_ = 	snop  }
0x6: {  	_ = 	snop  }
0x7: {  	_ = 	snop  }
__scs_overlays_trampoline_lowered:
0x8: {  	[smem:$0x3FAC] =	sst s0  }
0x9: {  	[smem:$0x3FAD] =	sst s1  }
0xa: {  	[smem:$0x3FAE] =	sst s2  }
0xb: {  	[smem:$0x3FAF] =	sst s3  }
0xc: {  	[smem:$0x3FB0] =	sst s4  }
0xd: {  	[smem:$0x3FB1] =	sst s5  }
0xe: {  	[smem:$0x3FB2] =	sst s6  }
0xf: {  	[smem:$0x3FB3] =	sst s7  }
0x10: {  	[smem:$0x3FB4] =	sst s8  }
0x11: {  	[smem:$0x3FB5] =	sst s9;
	s0 =	simm.s32 @!p0 $0x0  }
0x12: {  	s1 =	sld [smem:$0x3F9B];
	s0 =	simm.s32 @p0 $0x1  }
0x13: {  	[smem:$0x3FB6] =	sst s0;
	s0 =	simm.s32 @!p1 $0x0  }
0x14: {  	s2 =	sld [smem:$0x3F9A];
	s0 =	simm.s32 @p1 $0x1  }
0x15: {  	[smem:$0x3FB7] =	sst s0;
	s0 =	simm.s32 @!p2 $0x0  }
0x16: {  	s3 =	sld [smem:$0x3FDB];
	s0 =	simm.s32 @p2 $0x1  }
0x17: {  	s4 =	simm.s32 $0x1BF5;
	[smem:$0x3FB9] =	sst s0  }
0x18: {  	s0 =	sld [smem:$0x3F9C];
	_ =	swait.ge [sflag:s4], $0x0  }
0x19: {  	s7 =	sld [smem:$0x3F9D]  }
0x1a: {  	s8 =	sadd.s32 $0xFFFFE003, lr  }
0x1b: {  	s9 =	sadd.s32 $0xFFFFFEF7, lr;
	s5 =	simm.s32 $0xFFFFFFFF;
	p2 =	slt.u32 s8, $0xFFFFF086  }
0x1c: {  	p1 =	slt.u32 s9, $0xF7A;
	s5 =	simm.s32 @!p2 $0x0  }
0x1d: {  	s5 =	simm.s32 @p1 $0x1;
	p0 =	seq.s32 s7, s2  }
0x1e: {  	s7 =	smul.u32 @!p0 $0xF7A, s2;
	p2 =	seq.s32 @!p0 s5, $0x0  }
0x1f: {  	s9 =	smul.u32 $0xF7A, s1;
	s8 =	simm.s32 @!p0 $0x1BF5;
	p2 =	por !p2, p0  }
0x20: {  	[sflag:s8] =	ssyncset.s32 @!p0 $0xFFFFF086;
	s6 =	sadd.s32 @!p0 s3, s7;
	s7 =	simm.s32 @!p0 $0x108  }
0x21: {  	s3 =	sadd.s32 s3, s9;
	s6 =	sadd.s32 @!p0 $0x88, s6;
	s7 =	simm.s32 @p2 $0x1082  }
0x22: {  	[simem:s7], [sflag:s8] =	dma.local @!p0 [hbm:s6], $0xF7A  }
0x23: {  	s9 =	sor.u32 $0xD0000000, s2;
	s6 =	simm.s32 $0x108;
	_ =	swait.ge @!p0 [sflag:s8], $0x0  }
0x24: {  	s3 =	sadd.s32 $0x88, s3;
	s6 =	simm.s32 @!p1 $0x1082;
	[sflag:s4] =	ssyncset.s32 $0xFFFFF086  }
0x25: {  	[simem:s6], [sflag:s4] =	dma.local [hbm:s3], $0xF7A  }
0x26: {  	[smem:$0x3F9D] =	sst s1;
	(tag) =	ssettag s2;
	_ =	strace s9  }
0x27: {  	s1 =	sld [smem:$0x3FAD]  }
0x28: {  	s2 =	sld [smem:$0x3FAE]  }
0x29: {  	s4 =	sld [smem:$0x3FB0]  }
0x2a: {  	p0 =	seq.s32 s5, $0x0;
	s5 =	sld [smem:$0x3FB1]  }
0x2b: {  	s6 =	sld [smem:$0x3FB2]  }
0x2c: {  	s7 =	sld [smem:$0x3FB3]  }
0x2d: {  	s3 =	simm.s32 $0x108;
	s8 =	sld [smem:$0x3FB4]  }
0x2e: {  	s3 =	simm.s32 @!p0 $0x1082;
	s9 =	sld [smem:$0x3FB5]  }
0x2f: {  	lr =	sadd.s32 s0, s3;
	s0 =	sld [smem:$0x3FAC]  }
0x30: {  	s3 =	sld [smem:$0x3FAF]  }
0x31: {  	[smem:$0x3FB8] =	sst s10  }
0x32: {  	s10 =	sld [smem:$0x3FB6];
	_ =	sdelay $0x3  }
0x33: {  	p0 =	seq.s32 s10, $0x1;
	s10 =	sld [smem:$0x3FB8];
	_ =	sdelay $0x3  }
0x34: {  	[smem:$0x3FB8] =	sst s10  }
0x35: {  	s10 =	sld [smem:$0x3FB7];
	_ =	sdelay $0x3  }
0x36: {  	p1 =	seq.s32 s10, $0x1;
	s10 =	sld [smem:$0x3FB8];
	_ =	sdelay $0x3  }
0x37: {  	[smem:$0x3FB8] =	sst s10  }
0x38: {  	s10 =	sld [smem:$0x3FB9]  }
0x39: {  	_ = 	snop;
	(pc) =	sbr.ind lr, $3  }
0x3a: {  	_ = 	snop  }
0x3b: {  	_ = 	snop  }
0x3c: {  	p2 =	seq.s32 s10, $0x1;
	s10 =	sld [smem:$0x3FB8]  }
0x3d: {  	_ =	shalt  }
0x3e: {  	_ =	shalt  }
0x3f: {  	_ =	shalt  }
0x40: {  	_ =	shalt  }
0x41: {  	_ =	shalt  }
0x42: {  	_ =	shalt  }
0x43: {  	_ =	shalt  }
0x44: {  	_ =	shalt  }
0x45: {  	_ =	shalt  }
0x46: {  	_ =	shalt  }
0x47: {  	_ =	shalt  }
0x48: {  	_ =	shalt  }
0x49: {  	_ =	shalt  }
0x4a: {  	_ =	shalt  }
0x4b: {  	_ =	shalt  }
0x4c: {  	_ =	shalt  }
0x4d: {  	_ =	shalt  }
0x4e: {  	_ =	shalt  }
0x4f: {  	_ =	shalt  }
0x50: {  	_ =	shalt  }
0x51: {  	_ =	shalt  }
0x52: {  	_ =	shalt  }
0x53: {  	_ =	shalt  }
0x54: {  	_ =	shalt  }
0x55: {  	_ =	shalt  }
0x56: {  	_ =	shalt  }
0x57: {  	_ =	shalt  }
0x58: {  	_ =	shalt  }
0x59: {  	_ =	shalt  }
0x5a: {  	_ =	shalt  }
0x5b: {  	_ =	shalt  }
0x5c: {  	_ =	shalt  }
0x5d: {  	_ =	shalt  }
0x5e: {  	_ =	shalt  }
0x5f: {  	_ =	shalt  }
0x60: {  	_ =	shalt  }
0x61: {  	_ =	shalt  }
0x62: {  	_ =	shalt  }
0x63: {  	_ =	shalt  }
0x64: {  	_ =	shalt  }
0x65: {  	_ =	shalt  }
0x66: {  	_ =	shalt  }
0x67: {  	_ =	shalt  }
0x68: {  	_ =	shalt  }
0x69: {  	_ =	shalt  }
0x6a: {  	_ =	shalt  }
0x6b: {  	_ =	shalt  }
0x6c: {  	_ =	shalt  }
0x6d: {  	_ =	shalt  }
0x6e: {  	_ =	shalt  }
0x6f: {  	_ =	shalt  }
0x70: {  	_ =	shalt  }
0x71: {  	_ =	shalt  }
0x72: {  	_ =	shalt  }
0x73: {  	_ =	shalt  }
0x74: {  	_ =	shalt  }
0x75: {  	_ =	shalt  }
0x76: {  	_ =	shalt  }
0x77: {  	_ =	shalt  }
0x78: {  	_ =	shalt  }
0x79: {  	_ =	shalt  }
0x7a: {  	_ =	shalt  }
0x7b: {  	_ =	shalt  }
0x7c: {  	_ =	shalt  }
0x7d: {  	_ =	shalt  }
0x7e: {  	_ =	shalt  }
0x7f: {  	_ =	shalt  }
0x80: {  	_ =	shalt  }
0x81: {  	_ =	shalt  }
0x82: {  	_ =	shalt  }
0x83: {  	_ =	shalt  }
0x84: {  	_ =	shalt  }
0x85: {  	_ =	shalt  }
0x86: {  	_ =	shalt  }
0x87: {  	_ =	shalt  }
.Lfunc_end0:
.L_simem_size_0:
called_computation_lowered:
.L_overlay_start_0:
0x88: {  	s2 =	sld [smem:$0x3FD9]  }
0x89: {  	s3 =	sld [smem:$0x3FFE];
	_ =	sdelay $0x1  }
0x8a: {  	s1 =	srdreg.scid  }
0x8b: {  	s0 =	sand.u32 $0x1, s1  }
0x8c: {  	s17 =	sshll.u32 s0, $0xA;
	s2 =	sadd.s32 s3, s2  }
0x8d: {  	s2 =	sadd.s32 s2, s17  }
0x8e: {  	[smem:$0x3FC4] =	sst s2  }
0x8f: {  	_ = 	snop  }
0x90: {  	s2 =	sld [smem:$0x3FC8]  }
0x91: {  	s18 =	sld [smem:$0x3FC7]  }
0x92: {  	s4 =	sld [smem:$0x3FC6]  }
0x93: {  	s5 =	sld [smem:$0x3FD0];
	(tm) =	ssettm $0x1  }
0x94: {  	s6 =	sld [smem:$0x3FFB];
	_ =	sdelay $0x3  }
0x95: {  	_ =	strace s6  }
0x96: {  	s6 =	sld [smem:$0x3FFC];
	_ =	sdelay $0x3  }
0x97: {  	_ =	strace s6  }
0x98: {  	s6 =	sld [smem:$0x3FFD];
	_ =	sdelay $0x3  }
0x99: {  	_ =	strace s6  }
0x9a: {  	_ =	strace $0x8FFFFFFF  }
0x9b: {  	s19 =	sld [smem:$0x3FDB];
	_ =	sdelay $0x1  }
0x9c: {  	s7 =	simm.s32 $_scs_section_size  }
0x9d: {  	s8 =	simm.s32 $_size__tile_overlayer_lowered;
	s9 =	simm.s32 $_tile_overlayer_lowered  }
0x9e: {  	s22 =	simm.s32 $0x1BFF;
	s21 =	sshll.u32 s9, $0x1;
	s6 =	sadd.s32 s7, s19  }
0x9f: {  	s10 =	simm.s32 $0x0;
	s20 =	sshll.u32 s8, $0x1;
	s8 =	sadd.s32 s21, s6  }
0xa0: {  	[timem:s10], [sflag:s22] =	dma.local [hbm:s8], s20  }
0xa1: {  	_ =	swait.ge [sflag:s22], s20  }
0xa2: {  	s7 =	ssub.s32 $0x0, s20;
	[sflag:s22] =	ssyncset.done $0x0  }
0xa3: {  	[sflag:s22] =	ssyncadd.s32 s7;
	_ =	sdelay $0x1  }
0xa4: {  	s23 =	simm.s32 $0x1B8B  }
0xa5: {  	_ =	swait.ge [sflag:s23], $0x1  }
0xa6: {  	[sflag:s23] =	ssyncset.done $0x0  }
0xa7: {  	s25 =	simm.s32 $0x1B8E;
	s24 =	sld [smem:$0x3FFE];
	[sflag:s23] =	ssyncadd.s32 $0xFFFFFFFF  }
0xa8: {  	s26 =	simm.s32 $execute0_lowered;
	[smem:$0x3FD2] =	sst s25  }
0xa9: {  	s8 =	sshll.u32 s26, $0x1;
	_ =	strace $0x80000046;
	[dreg:$0x1] =	wrdreg $0xFFFFFFFF  }
0xaa: {  	s28 =	simm.s32 $_size_execute0_lowered;
	s6 =	sadd.s32 s6, s8;
	[dreg:$0x0] =	wrdreg $0x0  }
0xab: {  	s8 =	sshll.u32 s28, $0x1;
	[dreg:$0x2] =	wrdreg s6  }
0xac: {  	[dreg:$0x3] =	wrdreg s8  }
0xad: {  	[dreg:$0x4] =	wrdreg $0xC0  }
0xae: {  	_ =	task [dreg:s10], $0x5FFFF  }
0xaf: {  	[dreg:$0x1] =	wrdreg $0xFFFFFFFF  }
0xb0: {  	[dreg:$0x0] =	wrdreg $0x60  }
0xb1: {  	[dreg:$0x2] =	wrdreg s24  }
0xb2: {  	[dreg:$0x3] =	wrdreg s2  }
0xb3: {  	[dreg:$0x4] =	wrdreg s18  }
0xb4: {  	[dreg:$0x5] =	wrdreg s4  }
0xb5: {  	[dreg:$0x6] =	wrdreg s5  }
0xb6: {  	[dreg:$0x7] =	wrdreg $0xBB400  }
0xb7: {  	[dreg:$0x8] =	wrdreg $0xBB000  }
0xb8: {  	[dreg:$0x9] =	wrdreg $0x9  }
0xb9: {  	_ =	task.clear_ibuf [dreg:s10], $0xAFFFF;
	_ =	strace $0x90000046  }
0xba: {  	s29 =	simm.s32 $0x9;
	_ =	strace $0x80000048  }
0xbb: {  	_ =	swait.ge [sflag:s29], $0x1  }
0xbc: {  	[sflag:s29] =	ssyncadd.s32 $0xFFFFFFFF  }
0xbd: {  	_ =	strace $0x90000048  }
0xbe: {  	_ =	sfence  }
0xbf: {  	s30 =	sld [smem:$0x0];
	_ =	sdelay $0x2  }
0xc0: {  	s31 =	sshll.u32 s1, $0xD;
	s1 =	sshrl.u32 s1, $0x2  }
0xc1: {  	s3 =	sand.u32 $0x4000, s31;
	s1 =	sadd.s32 s1, s30  }
0xc2: {  	s0 =	sor.u32 s3, s0;
	s1 =	sshll.u32 s1, $0x11  }
0xc3: {  	s0 =	sor.u32 s1, s0  }
0xc4: {  	s0 =	sadd.s32 $0x8F2B, s0  }
0xc5: {  	[sflag:s0] =	ssyncadd.remote.s32 $0x1  }
0xc6: {  	_ =	sfence.sel $0xFFFF  }
0xc7: {  	[dreg:$0x0] =	wrdreg $0xFFFFFFFF;
	(pc) =	sbr.abs _section_cstart, $3  }
0xc8: {  	[dreg:$0x1] =	wrdreg $0xFFFFFFFF  }
0xc9: {  	_ =	task.clear_ibuf [dreg:s10], $0x2FFFF;
	_ =	strace $0x9FFFFFFF  }
0xca: {  	(tm) =	ssettm $0x7FFFFFFF  }
0xcb: {  	_ =	shalt  }
tec
execute0_lowered:
.L_overlay_start_1:
0x0: {  	(tag) =	ssettag $0x1  }
0x1: {  	s1 =	rddreg [dreg:$0x0]  }
0x2: {  	s0 =	rddreg [dreg:$0x1]  }
0x3: {  	s2 =	rddreg [dreg:$0x2]  }
0x4: {  	s3 =	rddreg [dreg:$0x3]  }
0x5: {  	s5 =	rddreg [dreg:$0x4]  }
0x6: {  	s4 =	rddreg [dreg:$0x5]  }
0x7: {  	s18 =	rddreg [dreg:$0x6];
	s6 =	simm.s32 $0x0  }
0x8: {  	s7 =	stileid.u32;
	s9 =	srdreg.scid;
	s28 =	simm.s32 $0x320  }
0x9: {  	s29 =	simm.s32 $0x12C0;
	s30 =	simm.s32 $0x44C0;
	s31 =	simm.s32 $0x960  }
0xa: {  	[smem:$0x7FF] =	sst s6;
	s8 =	smul.u32 $0xC350, s7;
	s9 =	sand.u32 $0x1, s9  }
0xb: {  	s10 =	sshll.u32 s7, $0x1;
	s13 =	sshll.u32 s7, $0x6;
	p0 =	sne.s32 s7, $0x0  }
0xc: {  	s7 =	simm.s32 $0x4;
	_ =	strace $0x80000047;
	s12 =	ssub.s32 $0x2, s9  }
0xd: {  	s10 =	sor.u32 s9, s10;
	s19 =	sor.u32 $0x1C07, s13;
	s9 =	sshll.u32 s9, $0x7  }
0xe: {  	s11 =	sshrl.u32 s8, $0x3;
	s26 =	sshrl.u32 s12, $0x1;
	s10 =	smul.u32 $0x186A0, s10  }
0xf: {  	s8 =	sadd.s32 s8, s4;
	s24 =	sadd.s32 s5, s9;
	s9 =	simm.s32 $0x2BC0  }
0x10: {  	[dreg:$0x9] =	wrdreg s19;
	s1 =	sadd.s32 s11, s1;
	s11 =	ssub.s32 s12, s26  }
0x11: {  	[dreg:$0x13] =	wrdreg s24;
	s26 =	sshrl.u32 s8, $0x3;
	s24 =	simm.s32 $0x640  }
0x12: {  	s1 =	sadd.s32 $0x186E00, s1;
	s14 =	sshrl.u32 s10, $0x3;
	[dreg:$0x15] =	wrdreg s26  }
0x13: {  	s25 =	smax.u32 s11, $0x1;
	s26 =	simm.s32 $0x3;
	[dreg:$0x8] =	wrdreg s1  }
0x14: {  	s11 =	simm.s32 $0x1;
	s15 =	sadd.s32 s0, s14;
	[dreg:$0x14] =	wrdreg s25  }
0x15: {  	s16 =	sadd.s32 s2, s14;
	s17 =	sadd.s32 $0x64, s14;
	[dreg:$0xa] =	wrdreg s15  }
0x16: {  	s13 =	sadd.s32 s3, s14;
	s1 =	sadd.s32 $0x3070, s14;
	[dreg:$0xb] =	wrdreg s16  }
0x17: {  	s25 =	simm.s32 $0xC80;
	[dreg:$0xc] =	wrdreg s13;
	s20 =	sadd.s32 s0, s17  }
0x18: {  	s14 =	simm.s32 $0x2;
	s21 =	sadd.s32 s2, s17;
	[dreg:$0xd] =	wrdreg s20  }
0x19: {  	s12 =	sadd.s32 s3, s17;
	s15 =	sadd.s32 $0x640, s10;
	[dreg:$0xe] =	wrdreg s21  }
0x1a: {  	s16 =	sadd.s32 $0x960, s10;
	s22 =	sadd.s32 s0, s1;
	[dreg:$0xf] =	wrdreg s12  }
0x1b: {  	s23 =	sadd.s32 s2, s1;
	s1 =	sadd.s32 s3, s1;
	[dreg:$0x10] =	wrdreg s22  }
0x1c: {  	v0 =	vlaneseq.u32;
	s10 =	simm.s32 $0x5DC0;
	s13 =	simm.s32 $0x76C0;
	[dreg:$0x11] =	wrdreg s23  }
0x1d: {  	v1 =	vimm.f32 $0.0e+00;
	v2 =	vor.u32 $0x10, v0;
	v3 =	vor.u32 $0x20, v0;
	s17 =	simm.s32 $0x6;
	[dreg:$0x12] =	wrdreg s1;
	s20 =	simm.s32 $0x7  }
0x1e: {  	v4 =	vor.u32 $0x30, v0;
	v5 =	vmul.u32 $0x8, v0;
	v6 =	vmul.u32 $0x400, v0;
	s1 =	simm.s32 $0xFA0;
	s12 =	simm.s32 $0x5;
	s21 =	simm.s32 $0x0  }
.LBB2_1:
0x1f: {  	[dreg:$0x16] =	wrdreg s21  }
0x20: {  	s5 =	rddreg [dreg:$0x8]  }
0x21: {  	s8 =	rddreg [dreg:$0x15]  }
0x22: {  	[spmem:s8], [sflag:s19] =	dma.local [hbm:s5], $0x186A  }
0x23: {  	_ =	swait.ge [sflag:s20], $0x186A  }
0x24: {  	[sflag:s20] =	ssyncset.done $0x0  }
0x25: {  	s5 =	simm.s32 $0x0;
	s8 =	simm.s32 $0x40;
	[sflag:s20] =	ssyncadd.s32 $0xFFFFE796  }
.LBB2_2:
0x26: {  	p1 =	sne.s32 s8, $0xFC0;
	[tilespmem:s5+$0xB2C0] =	vst v1  }
0x27: {  	[tilespmem:s5+$0xB6C0] =	vst v1  }
0x28: {  	[tilespmem:s5+$0x76C0] =	vst v1  }
0x29: {  	[tilespmem:s5+$0x7AC0] =	vst v1  }
0x2a: {  	[tilespmem:s5+$0x7EC0] =	vst v1  }
0x2b: {  	[tilespmem:s5+$0x82C0] =	vst v1  }
0x2c: {  	[tilespmem:s5+$0x86C0] =	vst v1  }
0x2d: {  	[tilespmem:s5+$0x8AC0] =	vst v1  }
0x2e: {  	[tilespmem:s5+$0x8EC0] =	vst v1  }
0x2f: {  	[tilespmem:s5+$0x92C0] =	vst v1  }
0x30: {  	[tilespmem:s5+$0x96C0] =	vst v1  }
0x31: {  	[tilespmem:s5+$0x9AC0] =	vst v1  }
.Ltmp0:
0x32: {  	[tilespmem:s5+$0x9EC0] =	vst v1;
	(pc) =	sbr.rel @p1 .LBB2_2-.Ltmp0, $4  }
0x33: {  	[tilespmem:s5+$0xA2C0] =	vst v1  }
0x34: {  	[tilespmem:s5+$0xA6C0] =	vst v1  }
0x35: {  	[tilespmem:s5+$0xAAC0] =	vst v1  }
0x36: {  	[tilespmem:s5+$0xAEC0] =	vst v1;
	s5 =	sshra.s32 s8, $0x2;
	s8 =	sadd.s32 $0x40, s8  }
0x37: {  	[tilespmem:s5+$0xB2C0] =	vst v1  }
0x38: {  	[tilespmem:s5+$0xB6C0] =	vst v1  }
0x39: {  	[tilespmem:s5+$0x76C0] =	vst v1  }
0x3a: {  	[tilespmem:s5+$0x7AC0] =	vst v1  }
0x3b: {  	[tilespmem:s5+$0x7EC0] =	vst v1  }
0x3c: {  	[tilespmem:s5+$0x82C0] =	vst v1  }
0x3d: {  	[tilespmem:s5+$0x86C0] =	vst v1  }
0x3e: {  	[tilespmem:s5+$0x8AC0] =	vst v1  }
0x3f: {  	[tilespmem:s5+$0x8EC0] =	vst v1  }
0x40: {  	[tilespmem:s5+$0x92C0] =	vst v1  }
0x41: {  	[tilespmem:s5+$0x96C0] =	vst v1  }
0x42: {  	[tilespmem:s5+$0x9AC0] =	vst v1  }
0x43: {  	[tilespmem:s5+$0x9EC0] =	vst v1  }
0x44: {  	[tilespmem:s5+$0xA2C0] =	vst v1  }
0x45: {  	[tilespmem:s5+$0xA6C0] =	vst v1  }
0x46: {  	[tilespmem:s5+$0xAAC0] =	vst v1  }
0x47: {  	[tilespmem:s5+$0xAEC0] =	vst v1  }
0x48: {  	[tilespmem:$0xBAC0] =	vst v0  }
0x49: {  	[tilespmem:$0xBAD0] =	vst v2  }
0x4a: {  	[tilespmem:$0xBAE0] =	vst v3  }
0x4b: {  	s5 =	simm.s32 @!p0 $0xB6C0;
	[tilespmem:$0xBAF0] =	vst v4  }
0x4c: {  	[spmem:s18] =	stream.linear.scatter @!p0 [tilespmem:s5], [sflag:$0x7], $0x400, $0x38;
	[tilespmem:$0x17E90] =	vst v63  }
0x4d: {  	s5 =	simm.s32 @!p0 $0x7  }
0x4e: {  	_ =	swait.ge @!p0 [sflag:s5], $0x400  }
0x4f: {  	[sflag:s5] =	ssyncset.done @!p0 $0x0  }
0x50: {  	[sflag:s5] =	ssyncadd.s32 @!p0 $0xFFFFFC00  }
0x51: {  	[bflag:$0x0] =	sbarrier.arrive $0xFFFF  }
0x52: {  	s19 =	simm.s32 $0x0;
	s8 =	rddreg [dreg:$0xa]  }
0x53: {  	[tilespmem:s19], [sflag:$0x3] =	stream.linear.gather [hbm4b:s8+s19], $0x320, $0x38;
	[tilespmem:$0x17E90] =	vst v63  }
0x54: {  	s18 =	rddreg [dreg:$0xb]  }
0x55: {  	[tilespmem:s24], [sflag:$0x3] =	stream.linear.gather [hbm4b:s18+s19], $0x320, $0x38;
	[tilespmem:$0x17E90] =	vst v63  }
0x56: {  	s20 =	rddreg [dreg:$0xc]  }
0x57: {  	[tilespmem:s25], [sflag:$0x5] =	stream.linear.gather [hbm4b:s20+s19], $0x320, $0x38;
	[tilespmem:$0x17E90] =	vst v63  }
0x58: {  	_ =	swait.ge [sflag:s26], $0x320  }
0x59: {  	[sflag:s26] =	ssyncset.done $0x0  }
0x5a: {  	[sflag:s26] =	ssyncadd.s32 $0xFFFFFCE0  }
0x5b: {  	_ =	swait.ge [sflag:s26], $0x320  }
0x5c: {  	[sflag:s26] =	ssyncset.done $0x0  }
0x5d: {  	[sflag:s26] =	ssyncadd.s32 $0xFFFFFCE0  }
0x5e: {  	[tilespmem:s29], [sflag:$0x1] =	stream.indirect.gather [spmem:s4], $0x8, s19, s28, $0xb8;
	[tilespmem:$0x17E90] =	vst v63  }
0x5f: {  	_ = 	snop  }
0x60: {  	[tilespmem:s30], [sflag:$0x1] =	stream.indirect.gather [spmem:s4], $0x8, s24, s28, $0xb8;
	[tilespmem:$0x17E90] =	vst v63  }
0x61: {  	s21 =	rddreg [dreg:$0xd]  }
0x62: {  	[tilespmem:s28], [sflag:$0x4] =	stream.linear.gather [hbm4b:s21+s19], $0x320, $0x38;
	[tilespmem:$0x17E90] =	vst v63  }
0x63: {  	s22 =	rddreg [dreg:$0xe]  }
0x64: {  	[tilespmem:s31], [sflag:$0x4] =	stream.linear.gather [hbm4b:s22+s19], $0x320, $0x38;
	[tilespmem:$0x17E90] =	vst v63  }
0x65: {  	s23 =	rddreg [dreg:$0xf]  }
0x66: {  	[tilespmem:s1], [sflag:$0x6] =	stream.linear.gather [hbm4b:s23+s19], $0x320, $0x38;
	[tilespmem:$0x17E90] =	vst v63  }
0x67: {  	_ =	swait.ge [sflag:s7], $0x320  }
0x68: {  	[sflag:s7] =	ssyncset.done $0x0  }
0x69: {  	[sflag:s7] =	ssyncadd.s32 $0xFFFFFCE0  }
0x6a: {  	_ =	swait.ge [sflag:s7], $0x320  }
0x6b: {  	[sflag:s7] =	ssyncset.done $0x0  }
0x6c: {  	[sflag:s7] =	ssyncadd.s32 $0xFFFFFCE0  }
0x6d: {  	[tilespmem:s9], [sflag:$0x2] =	stream.indirect.gather [spmem:s4], $0x8, s28, s28, $0xb8;
	[tilespmem:$0x17E90] =	vst v63  }
0x6e: {  	s20 =	simm.s32 $0x0  }
0x6f: {  	[tilespmem:s10], [sflag:$0x2] =	stream.indirect.gather [spmem:s4], $0x8, s31, s28, $0xb8;
	[tilespmem:$0x17E90] =	vst v63  }
.LBB2_4:
0x70: {  	_ =	swait.ge [sflag:s11], $0x1900  }
0x71: {  	s21 =	smul.u32 $0x640, s20;
	[sflag:s11] =	ssyncset.done $0x0  }
0x72: {  	[sflag:s11] =	ssyncadd.s32 $0xFFFFE700  }
0x73: {  	s5 =	sadd.s32 s21, s15;
	_ =	swait.ge [sflag:s11], $0x1900  }
0x74: {  	v7 =	vmov s19;
	s22 =	sshrl.u32 s5, $0x3;
	[sflag:s11] =	ssyncset.done $0x0  }
0x75: {  	v7 =	vshll.u32 v7, $0x3;
	s5 =	sadd.s32 s0, s22;
	[sflag:s11] =	ssyncadd.s32 $0xFFFFE700  }
0x76: {  	v8 =	vor.u32 v5, v7;
	[tilespmem:s19], [sflag:$0x3] =	stream.linear.gather [hbm4b:s5+s19], $0x320, $0x38;
	[tilespmem:$0x17E90] =	vst v63  }
0x77: {  	v7 =	vor.u32 $0x1, v8;
	s18 =	sadd.s32 s2, s22  }
0x78: {  	v9 =	vor.u32 $0x3, v8;
	[tilespmem:s24], [sflag:$0x3] =	stream.linear.gather [hbm4b:s18+s19], $0x320, $0x38;
	[tilespmem:$0x17E90] =	vst v63  }
0x79: {  	_ =	swait.ge [sflag:s12], $0x320  }
0x7a: {  	[sflag:s12] =	ssyncset.done $0x0  }
0x7b: {  	[sflag:s12] =	ssyncadd.s32 $0xFFFFFCE0  }
0x7c: {  	v10 =	vld.idx.msk [tilespmem:v7+s30+$0x0], $0xffff  }
0x7d: {  	v11 =	vld.idx.msk [tilespmem:v9+s29+$0x0], $0xffff  }
0x7e: {  	v14 =	vor.u32 $0x2, v8;
	v9 =	vld.idx.msk [tilespmem:v9+s30+$0x0], $0xffff  }
0x7f: {  	v12 =	vld.idx.msk [tilespmem:v8+s30+$0x0], $0xffff  }
0x80: {  	v7 =	vld.idx.msk [tilespmem:v7+s29+$0x0], $0xffff  }
0x81: {  	s23 =	simm.s32 $0x10;
	v15 =	vld.idx.msk [tilespmem:v8+s29+$0x0], $0xffff  }
0x82: {  	v13 =	vmov s23  }
0x83: {  	v9 =	vmul.f32 v9, v11;
	v11 =	vshll.u32 v13, $0x3;
	v13 =	vld.idx.msk [tilespmem:v14+s30+$0x0], $0xffff  }
0x84: {  	v14 =	vld.idx.msk [tilespmem:v14+s29+$0x0], $0xffff  }
0x85: {  	v17 =	vsub.f32 v7, v10;
	v11 =	vor.u32 v5, v11;
	v10 =	vadd.f32 $9.999999960e-13, v9  }
0x86: {  	v16 =	vsub.f32 v15, v12;
	v7 =	vor.u32 $0x1, v11;
	v9 =	vor.u32 $0x3, v11  }
0x87: {  	s8 =	simm.s32 $0xC80;
	s23 =	simm.s32 $0x20;
	s5 =	simm.s32 $0xC80;
	v15 =	vmul.f32 v17, v17;
	v17 =	vshrl.u32 v10, $0x1;
	v12 =	vmul.f32 $5.000000000e-01, v10  }
.LBB2_5:
0x88: {  	p1 =	sne.s32 s23, $0x310  }
0x89: {  	v13 =	vsub.f32 v14, v13;
	v14 =	vmul.f32 v16, v16;
	v16 =	vsub.s32 $0x5F3759DF, v17;
	s5 =	sadd.s32 $0x10, s5;
	s18 =	smov.u32 s23;
	s23 =	sadd.s32 $0x10, s23  }
0x8a: {  	v17 =	vor.u32 $0x4, v8;
	v8 =	vmov v11;
	v18 =	vmul.f32 v16, v12  }
0x8b: {  	v11 =	vadd.f32 v15, v14;
	v13 =	vmul.f32 v13, v13  }
0x8c: {  	v14 =	vmul.f32 v16, v18  }
0x8d: {  	v11 =	vadd.f32 v13, v11  }
0x8e: {  	v13 =	vsub.f32 $1.500000000e+00, v14  }
0x8f: {  	v14 =	vld.idx.msk [tilespmem:v17+s30+$0x0], $0xffff;
	v11 =	vadd.f32 $9.999999960e-13, v11  }
0x90: {  	v15 =	vld.idx.msk [tilespmem:v17+s29+$0x0], $0xffff;
	v13 =	vmul.f32 v16, v13  }
0x91: {  	v11 =	vmax.f32 v11, $2.500000000e-01  }
0x92: {  	v16 =	vmul.f32 v13, v12;
	v17 =	vmul.f32 v11, v11;
	_ =	sdelay $0x1  }
0x93: {  	v16 =	vmul.f32 v16, v13;
	v11 =	vmul.f32 v17, v11;
	_ =	sdelay $0x1  }
0x94: {  	v14 =	vadd.f32 v14, v15;
	v16 =	vsub.f32 $1.500000000e+00, v16;
	(erf) = vrcp.f32 v11;
	_ =	sdelay $0x1  }
0x95: {  	v11 =	vmul.f32 v16, v13;
	v13 =	vmul.f32 $5.000000000e-01, v14;
	_ =	sdelay $0x1  }
0x96: {  	v12 =	vmul.f32 v11, v12;
	v13 =	vmul.f32 v13, v13;
	_ =	sdelay $0x1  }
0x97: {  	v12 =	vmul.f32 v12, v11;
	v16 =	vmul.f32 v13, v13;
	_ =	sdelay $0x1  }
0x98: {  	v15 =	vld [tilespmem:s8+$0x0];
	v12 =	vsub.f32 $1.500000000e+00, v12;
	v13 =	vmul.f32 v16, v13;
	s8 =	smov.u32 s5  }
0x99: {  	v14 =	vpop (erf)  }
0x9a: {  	v11 =	vmul.f32 v12, v11;
	v12 =	vmul.f32 v14, v13;
	_ =	sdelay $0x1  }
0x9b: {  	v10 =	vmul.f32 v11, v10;
	v11 =	vmul.f32 v12, v12  }
0x9c: {  	v13 =	vadd.s32 v6, v15  }
0x9d: {  	v10 =	vmul.f32 $4.000000000e+00, v10;
	v11 =	vsub.f32 v11, v12;
	_ =	sdelay $0x1  }
0x9e: {  	v10 =	vmul.f32 v10, v11;
	_ =	sdelay $0x1  }
0x9f: {  	[tilespmem:v13+s13+$0x0] =	vst.idx.add.f32.msk $0xffff, v10  }
0xa0: {  	v10 =	vld.idx.msk [tilespmem:v7+s30+$0x0], $0xffff  }
0xa1: {  	v11 =	vor.u32 $0x2, v8;
	v12 =	vld.idx.msk [tilespmem:v9+s29+$0x0], $0xffff  }
0xa2: {  	v9 =	vld.idx.msk [tilespmem:v9+s30+$0x0], $0xffff  }
0xa3: {  	v15 =	vld.idx.msk [tilespmem:v8+s30+$0x0], $0xffff  }
0xa4: {  	v7 =	vld.idx.msk [tilespmem:v7+s29+$0x0], $0xffff  }
0xa5: {  	v16 =	vld.idx.msk [tilespmem:v8+s29+$0x0], $0xffff  }
0xa6: {  	v13 =	vld.idx.msk [tilespmem:v11+s30+$0x0], $0xffff  }
0xa7: {  	v14 =	vld.idx.msk [tilespmem:v11+s29+$0x0], $0xffff  }
.Ltmp1:
0xa8: {  	v11 =	vmov s18;
	v9 =	vmul.f32 v9, v12;
	(pc) =	sbr.rel @p1 .LBB2_5-.Ltmp1, $4  }
0xa9: {  	v11 =	vshll.u32 v11, $0x3  }
0xaa: {  	v11 =	vor.u32 v5, v11;
	v12 =	vsub.f32 v7, v10;
	v10 =	vadd.f32 $9.999999960e-13, v9  }
0xab: {  	v7 =	vor.u32 $0x1, v11;
	v9 =	vor.u32 $0x3, v11;
	v16 =	vsub.f32 v16, v15  }
0xac: {  	v15 =	vmul.f32 v12, v12;
	v17 =	vshrl.u32 v10, $0x1;
	v12 =	vmul.f32 $5.000000000e-01, v10  }
0xad: {  	v13 =	vsub.f32 v14, v13;
	v14 =	vmul.f32 v16, v16;
	v16 =	vsub.s32 $0x5F3759DF, v17  }
0xae: {  	v8 =	vor.u32 $0x4, v8;
	v17 =	vmul.f32 v16, v12  }
0xaf: {  	v14 =	vadd.f32 v15, v14;
	v13 =	vmul.f32 v13, v13  }
0xb0: {  	v15 =	vmul.f32 v16, v17  }
0xb1: {  	v13 =	vadd.f32 v13, v14  }
0xb2: {  	v14 =	vsub.f32 $1.500000000e+00, v15  }
0xb3: {  	v15 =	vld.idx.msk [tilespmem:v8+s30+$0x0], $0xffff;
	v13 =	vadd.f32 $9.999999960e-13, v13  }
0xb4: {  	v8 =	vld.idx.msk [tilespmem:v8+s29+$0x0], $0xffff;
	v14 =	vmul.f32 v16, v14  }
0xb5: {  	v13 =	vmax.f32 v13, $2.500000000e-01  }
0xb6: {  	v16 =	vmul.f32 v14, v12;
	v17 =	vmul.f32 v13, v13;
	_ =	sdelay $0x1  }
0xb7: {  	v16 =	vmul.f32 v16, v14;
	v13 =	vmul.f32 v17, v13  }
0xb8: {  	v8 =	vadd.f32 v15, v8  }
0xb9: {  	v16 =	vsub.f32 $1.500000000e+00, v16;
	(erf) = vrcp.f32 v13  }
0xba: {  	v8 =	vmul.f32 $5.000000000e-01, v8  }
0xbb: {  	v13 =	vmul.f32 v16, v14  }
0xbc: {  	v8 =	vmul.f32 v8, v8  }
0xbd: {  	v12 =	vmul.f32 v13, v12  }
0xbe: {  	v14 =	vmul.f32 v8, v8  }
0xbf: {  	v12 =	vmul.f32 v12, v13;
	_ =	sdelay $0x1  }
0xc0: {  	v15 =	vld [tilespmem:s8+$0x0];
	v8 =	vmul.f32 v14, v8;
	v12 =	vsub.f32 $1.500000000e+00, v12  }
0xc1: {  	v14 =	vpop (erf)  }
0xc2: {  	v12 =	vmul.f32 v12, v13;
	v8 =	vmul.f32 v14, v8;
	_ =	sdelay $0x1  }
0xc3: {  	v10 =	vmul.f32 v12, v10;
	v12 =	vmul.f32 v8, v8  }
0xc4: {  	v13 =	vadd.s32 v6, v15  }
0xc5: {  	v10 =	vmul.f32 $4.000000000e+00, v10;
	v8 =	vsub.f32 v12, v8;
	_ =	sdelay $0x1  }
0xc6: {  	v8 =	vmul.f32 v10, v8;
	_ =	sdelay $0x1  }
0xc7: {  	[tilespmem:v13+s13+$0x0] =	vst.idx.add.f32.msk $0xffff, v8  }
0xc8: {  	v12 =	vld.idx.msk [tilespmem:v9+s29+$0x0], $0xffff  }
0xc9: {  	v10 =	vor.u32 $0x2, v11;
	v9 =	vld.idx.msk [tilespmem:v9+s30+$0x0], $0xffff  }
0xca: {  	v8 =	vld.idx.msk [tilespmem:v7+s30+$0x0], $0xffff  }
0xcb: {  	v7 =	vld.idx.msk [tilespmem:v7+s29+$0x0], $0xffff  }
0xcc: {  	v13 =	vld.idx.msk [tilespmem:v11+s30+$0x0], $0xffff  }
0xcd: {  	v14 =	vld.idx.msk [tilespmem:v11+s29+$0x0], $0xffff  }
0xce: {  	v15 =	vld.idx.msk [tilespmem:v10+s30+$0x0], $0xffff;
	v9 =	vmul.f32 v9, v12  }
0xcf: {  	v10 =	vld.idx.msk [tilespmem:v10+s29+$0x0], $0xffff  }
0xd0: {  	v7 =	vsub.f32 v7, v8;
	v8 =	vadd.f32 $9.999999960e-13, v9;
	_ =	sdelay $0x1  }
0xd1: {  	v9 =	vsub.f32 v14, v13;
	v12 =	vshrl.u32 v8, $0x1;
	v13 =	vmul.f32 $5.000000000e-01, v8  }
0xd2: {  	v7 =	vmul.f32 v7, v7;
	v12 =	vsub.s32 $0x5F3759DF, v12  }
0xd3: {  	v10 =	vsub.f32 v10, v15;
	v9 =	vmul.f32 v9, v9;
	v14 =	vmul.f32 v12, v13  }
0xd4: {  	v11 =	vor.u32 $0x4, v11  }
0xd5: {  	v7 =	vadd.f32 v7, v9;
	v9 =	vmul.f32 v10, v10;
	v10 =	vmul.f32 v12, v14;
	_ =	sdelay $0x1  }
0xd6: {  	v7 =	vadd.f32 v9, v7;
	v9 =	vsub.f32 $1.500000000e+00, v10;
	_ =	sdelay $0x1  }
0xd7: {  	v7 =	vadd.f32 $9.999999960e-13, v7;
	v10 =	vld.idx.msk [tilespmem:v11+s30+$0x0], $0xffff;
	v9 =	vmul.f32 v12, v9  }
0xd8: {  	v11 =	vld.idx.msk [tilespmem:v11+s29+$0x0], $0xffff  }
0xd9: {  	v7 =	vmax.f32 v7, $2.500000000e-01;
	v12 =	vmul.f32 v9, v13  }
0xda: {  	v14 =	vmul.f32 v7, v7  }
0xdb: {  	v12 =	vmul.f32 v12, v9  }
0xdc: {  	v7 =	vmul.f32 v14, v7  }
0xdd: {  	v10 =	vadd.f32 v10, v11;
	v12 =	vsub.f32 $1.500000000e+00, v12  }
0xde: {  	(erf) = vrcp.f32 v7  }
0xdf: {  	v7 =	vmul.f32 v12, v9;
	v9 =	vmul.f32 $5.000000000e-01, v10;
	_ =	sdelay $0x1  }
0xe0: {  	v9 =	vmul.f32 v9, v9  }
0xe1: {  	v10 =	vmul.f32 v7, v13  }
0xe2: {  	v11 =	vmul.f32 v9, v9  }
0xe3: {  	v10 =	vmul.f32 v10, v7  }
0xe4: {  	s5 =	sadd.s32 $0x10, s5  }
0xe5: {  	v12 =	vld [tilespmem:s5+$0x0];
	v10 =	vsub.f32 $1.500000000e+00, v10;
	v9 =	vmul.f32 v11, v9  }
0xe6: {  	v11 =	vpop (erf)  }
0xe7: {  	v7 =	vmul.f32 v10, v7;
	v9 =	vmul.f32 v11, v9;
	_ =	sdelay $0x1  }
0xe8: {  	v7 =	vmul.f32 v7, v8;
	v8 =	vmul.f32 v9, v9  }
0xe9: {  	v10 =	vadd.s32 v6, v12  }
0xea: {  	v7 =	vmul.f32 $4.000000000e+00, v7;
	v8 =	vsub.f32 v8, v9;
	_ =	sdelay $0x1  }
0xeb: {  	v7 =	vmul.f32 v7, v8;
	_ =	sdelay $0x1  }
0xec: {  	s18 =	simm.s32 $0x0;
	s8 =	sadd.s32 s3, s22;
	[tilespmem:v10+s13+$0x0] =	vst.idx.add.f32.msk $0xffff, v7  }
0xed: {  	[tilespmem:s25], [sflag:$0x5] =	stream.linear.gather [hbm4b:s8+s18], $0x320, $0x38;
	[tilespmem:$0x17E90] =	vst v63  }
0xee: {  	_ =	swait.ge [sflag:s26], $0x320  }
0xef: {  	[sflag:s26] =	ssyncset.done $0x0  }
0xf0: {  	[sflag:s26] =	ssyncadd.s32 $0xFFFFFCE0  }
0xf1: {  	_ =	swait.ge [sflag:s26], $0x320  }
0xf2: {  	[sflag:s26] =	ssyncset.done $0x0  }
0xf3: {  	[sflag:s26] =	ssyncadd.s32 $0xFFFFFCE0  }
0xf4: {  	[tilespmem:s29], [sflag:$0x1] =	stream.indirect.gather [spmem:s4], $0x8, s18, s28, $0xb8;
	[tilespmem:$0x17E90] =	vst v63  }
0xf5: {  	_ = 	snop  }
0xf6: {  	[tilespmem:s30], [sflag:$0x1] =	stream.indirect.gather [spmem:s4], $0x8, s24, s28, $0xb8;
	[tilespmem:$0x17E90] =	vst v63  }
0xf7: {  	_ =	swait.ge [sflag:s14], $0x1900  }
0xf8: {  	[sflag:s14] =	ssyncset.done $0x0  }
0xf9: {  	[sflag:s14] =	ssyncadd.s32 $0xFFFFE700  }
0xfa: {  	s21 =	sadd.s32 s21, s16;
	_ =	swait.ge [sflag:s14], $0x1900  }
0xfb: {  	s21 =	sshrl.u32 s21, $0x3;
	v7 =	vmov s18;
	[sflag:s14] =	ssyncset.done $0x0  }
0xfc: {  	s5 =	sadd.s32 s0, s21;
	v7 =	vshll.u32 v7, $0x3;
	[sflag:s14] =	ssyncadd.s32 $0xFFFFE700  }
0xfd: {  	v8 =	vor.u32 v5, v7;
	[tilespmem:s28], [sflag:$0x4] =	stream.linear.gather [hbm4b:s5+s18], $0x320, $0x38;
	[tilespmem:$0x17E90] =	vst v63  }
0xfe: {  	s22 =	sadd.s32 s2, s21;
	v7 =	vor.u32 $0x1, v8  }
0xff: {  	v9 =	vor.u32 $0x3, v8;
	[tilespmem:s31], [sflag:$0x4] =	stream.linear.gather [hbm4b:s22+s18], $0x320, $0x38;
	[tilespmem:$0x17E90] =	vst v63  }
0x100: {  	_ =	swait.ge [sflag:s17], $0x320  }
0x101: {  	[sflag:s17] =	ssyncset.done $0x0  }
0x102: {  	[sflag:s17] =	ssyncadd.s32 $0xFFFFFCE0  }
0x103: {  	v10 =	vld.idx.msk [tilespmem:v7+s10+$0x0], $0xffff  }
0x104: {  	v11 =	vld.idx.msk [tilespmem:v9+s9+$0x0], $0xffff  }
0x105: {  	v14 =	vor.u32 $0x2, v8;
	v9 =	vld.idx.msk [tilespmem:v9+s10+$0x0], $0xffff  }
0x106: {  	v12 =	vld.idx.msk [tilespmem:v8+s10+$0x0], $0xffff  }
0x107: {  	v7 =	vld.idx.msk [tilespmem:v7+s9+$0x0], $0xffff  }
0x108: {  	s23 =	simm.s32 $0x10;
	v15 =	vld.idx.msk [tilespmem:v8+s9+$0x0], $0xffff  }
0x109: {  	v13 =	vmov s23  }
0x10a: {  	v9 =	vmul.f32 v9, v11;
	v11 =	vshll.u32 v13, $0x3;
	v13 =	vld.idx.msk [tilespmem:v14+s10+$0x0], $0xffff  }
0x10b: {  	v14 =	vld.idx.msk [tilespmem:v14+s9+$0x0], $0xffff  }
0x10c: {  	v17 =	vsub.f32 v7, v10;
	v11 =	vor.u32 v5, v11;
	v10 =	vadd.f32 $9.999999960e-13, v9  }
0x10d: {  	v16 =	vsub.f32 v15, v12;
	v7 =	vor.u32 $0x1, v11;
	v9 =	vor.u32 $0x3, v11  }
0x10e: {  	s8 =	simm.s32 $0xFA0;
	s5 =	simm.s32 $0xFA0;
	s22 =	simm.s32 $0x20;
	v15 =	vmul.f32 v17, v17;
	v17 =	vshrl.u32 v10, $0x1;
	v12 =	vmul.f32 $5.000000000e-01, v10  }
.LBB2_7:
0x10f: {  	p1 =	sne.s32 s22, $0x310  }
0x110: {  	v13 =	vsub.f32 v14, v13;
	v14 =	vmul.f32 v16, v16;
	v16 =	vsub.s32 $0x5F3759DF, v17;
	s5 =	sadd.s32 $0x10, s5;
	s18 =	smov.u32 s22;
	s22 =	sadd.s32 $0x10, s22  }
0x111: {  	v17 =	vor.u32 $0x4, v8;
	v8 =	vmov v11;
	v18 =	vmul.f32 v16, v12  }
0x112: {  	v11 =	vadd.f32 v15, v14;
	v13 =	vmul.f32 v13, v13  }
0x113: {  	v14 =	vmul.f32 v16, v18  }
0x114: {  	v11 =	vadd.f32 v13, v11  }
0x115: {  	v13 =	vsub.f32 $1.500000000e+00, v14  }
0x116: {  	v14 =	vld.idx.msk [tilespmem:v17+s10+$0x0], $0xffff;
	v11 =	vadd.f32 $9.999999960e-13, v11  }
0x117: {  	v15 =	vld.idx.msk [tilespmem:v17+s9+$0x0], $0xffff;
	v13 =	vmul.f32 v16, v13  }
0x118: {  	v11 =	vmax.f32 v11, $2.500000000e-01  }
0x119: {  	v16 =	vmul.f32 v13, v12;
	v17 =	vmul.f32 v11, v11;
	_ =	sdelay $0x1  }
0x11a: {  	v16 =	vmul.f32 v16, v13;
	v11 =	vmul.f32 v17, v11;
	_ =	sdelay $0x1  }
0x11b: {  	v14 =	vadd.f32 v14, v15;
	v16 =	vsub.f32 $1.500000000e+00, v16;
	(erf) = vrcp.f32 v11;
	_ =	sdelay $0x1  }
0x11c: {  	v11 =	vmul.f32 v16, v13;
	v13 =	vmul.f32 $5.000000000e-01, v14;
	_ =	sdelay $0x1  }
0x11d: {  	v12 =	vmul.f32 v11, v12;
	v13 =	vmul.f32 v13, v13;
	_ =	sdelay $0x1  }
0x11e: {  	v12 =	vmul.f32 v12, v11;
	v16 =	vmul.f32 v13, v13;
	_ =	sdelay $0x1  }
0x11f: {  	v15 =	vld [tilespmem:s8+$0x0];
	v12 =	vsub.f32 $1.500000000e+00, v12;
	v13 =	vmul.f32 v16, v13;
	s8 =	smov.u32 s5  }
0x120: {  	v14 =	vpop (erf)  }
0x121: {  	v11 =	vmul.f32 v12, v11;
	v12 =	vmul.f32 v14, v13;
	_ =	sdelay $0x1  }
0x122: {  	v10 =	vmul.f32 v11, v10;
	v11 =	vmul.f32 v12, v12  }
0x123: {  	v13 =	vadd.s32 v6, v15  }
0x124: {  	v10 =	vmul.f32 $4.000000000e+00, v10;
	v11 =	vsub.f32 v11, v12;
	_ =	sdelay $0x1  }
0x125: {  	v10 =	vmul.f32 v10, v11;
	_ =	sdelay $0x1  }
0x126: {  	[tilespmem:v13+s13+$0x0] =	vst.idx.add.f32.msk $0xffff, v10  }
0x127: {  	v10 =	vld.idx.msk [tilespmem:v7+s10+$0x0], $0xffff  }
0x128: {  	v11 =	vor.u32 $0x2, v8;
	v12 =	vld.idx.msk [tilespmem:v9+s9+$0x0], $0xffff  }
0x129: {  	v9 =	vld.idx.msk [tilespmem:v9+s10+$0x0], $0xffff  }
0x12a: {  	v15 =	vld.idx.msk [tilespmem:v8+s10+$0x0], $0xffff  }
0x12b: {  	v7 =	vld.idx.msk [tilespmem:v7+s9+$0x0], $0xffff  }
0x12c: {  	v16 =	vld.idx.msk [tilespmem:v8+s9+$0x0], $0xffff  }
0x12d: {  	v13 =	vld.idx.msk [tilespmem:v11+s10+$0x0], $0xffff  }
0x12e: {  	v14 =	vld.idx.msk [tilespmem:v11+s9+$0x0], $0xffff  }
.Ltmp2:
0x12f: {  	v11 =	vmov s18;
	v9 =	vmul.f32 v9, v12;
	(pc) =	sbr.rel @p1 .LBB2_7-.Ltmp2, $4  }
0x130: {  	v11 =	vshll.u32 v11, $0x3  }
0x131: {  	v11 =	vor.u32 v5, v11;
	v12 =	vsub.f32 v7, v10;
	v10 =	vadd.f32 $9.999999960e-13, v9  }
0x132: {  	v7 =	vor.u32 $0x1, v11;
	v9 =	vor.u32 $0x3, v11;
	v16 =	vsub.f32 v16, v15  }
0x133: {  	v15 =	vmul.f32 v12, v12;
	v17 =	vshrl.u32 v10, $0x1;
	v12 =	vmul.f32 $5.000000000e-01, v10  }
0x134: {  	v13 =	vsub.f32 v14, v13;
	v30 =	vmul.f32 v16, v16;
	v31 =	vsub.s32 $0x5F3759DF, v17  }
0x135: {  	v17 =	vmul.f32 v31, v12  }
0x136: {  	v8 =	vor.u32 $0x4, v8;
	v14 =	vadd.f32 v15, v30;
	v13 =	vmul.f32 v13, v13  }
0x137: {  	v32 =	vmul.f32 v31, v17  }
0x138: {  	v13 =	vadd.f32 v13, v14  }
0x139: {  	v33 =	vsub.f32 $1.500000000e+00, v32  }
0x13a: {  	v13 =	vadd.f32 $9.999999960e-13, v13  }
0x13b: {  	v34 =	vld.idx.msk [tilespmem:v8+s10+$0x0], $0xffff;
	v14 =	vmul.f32 v31, v33  }
0x13c: {  	v8 =	vld.idx.msk [tilespmem:v8+s9+$0x0], $0xffff;
	v13 =	vmax.f32 v13, $2.500000000e-01  }
0x13d: {  	v16 =	vmul.f32 v14, v12;
	v35 =	vmul.f32 v13, v13;
	_ =	sdelay $0x1  }
0x13e: {  	v16 =	vmul.f32 v16, v14;
	v13 =	vmul.f32 v35, v13;
	_ =	sdelay $0x1  }
0x13f: {  	v8 =	vadd.f32 v34, v8;
	v16 =	vsub.f32 $1.500000000e+00, v16;
	(erf) = vrcp.f32 v13;
	_ =	sdelay $0x1  }
0x140: {  	v8 =	vmul.f32 $5.000000000e-01, v8;
	v36 =	vmul.f32 v16, v14;
	_ =	sdelay $0x1  }
0x141: {  	v8 =	vmul.f32 v8, v8;
	v37 =	vmul.f32 v36, v12;
	_ =	sdelay $0x1  }
0x142: {  	v38 =	vmul.f32 v8, v8;
	v12 =	vmul.f32 v37, v36;
	_ =	sdelay $0x1  }
0x143: {  	v39 =	vld [tilespmem:s8+$0x0];
	v8 =	vmul.f32 v38, v8;
	v12 =	vsub.f32 $1.500000000e+00, v12  }
0x144: {  	v40 =	vpop (erf)  }
0x145: {  	v12 =	vmul.f32 v12, v36;
	v8 =	vmul.f32 v40, v8;
	_ =	sdelay $0x1  }
0x146: {  	v10 =	vmul.f32 v12, v10;
	v41 =	vmul.f32 v8, v8  }
0x147: {  	v42 =	vadd.s32 v6, v39  }
0x148: {  	v10 =	vmul.f32 $4.000000000e+00, v10;
	v8 =	vsub.f32 v41, v8;
	_ =	sdelay $0x1  }
0x149: {  	v8 =	vmul.f32 v10, v8;
	_ =	sdelay $0x1  }
0x14a: {  	[tilespmem:v42+s13+$0x0] =	vst.idx.add.f32.msk $0xffff, v8  }
0x14b: {  	v8 =	vld.idx.msk [tilespmem:v7+s10+$0x0], $0xffff  }
0x14c: {  	v43 =	vor.u32 $0x2, v11;
	v44 =	vld.idx.msk [tilespmem:v9+s9+$0x0], $0xffff  }
0x14d: {  	v45 =	vld.idx.msk [tilespmem:v9+s10+$0x0], $0xffff  }
0x14e: {  	v13 =	vld.idx.msk [tilespmem:v11+s10+$0x0], $0xffff  }
0x14f: {  	v7 =	vld.idx.msk [tilespmem:v7+s9+$0x0], $0xffff  }
0x150: {  	v46 =	vld.idx.msk [tilespmem:v11+s9+$0x0], $0xffff  }
0x151: {  	v47 =	vld.idx.msk [tilespmem:v43+s10+$0x0], $0xffff  }
0x152: {  	v10 =	vld.idx.msk [tilespmem:v43+s9+$0x0], $0xffff  }
0x153: {  	v9 =	vmul.f32 v45, v44;
	_ =	sdelay $0x1  }
0x154: {  	v7 =	vsub.f32 v7, v8;
	v8 =	vadd.f32 $9.999999960e-13, v9  }
0x155: {  	v48 =	vsub.f32 v46, v13  }
0x156: {  	v10 =	vsub.f32 v10, v47;
	v49 =	vshrl.u32 v8, $0x1;
	v50 =	vmul.f32 $5.000000000e-01, v8  }
0x157: {  	v7 =	vmul.f32 v7, v7;
	v9 =	vmul.f32 v48, v48;
	v12 =	vsub.s32 $0x5F3759DF, v49  }
0x158: {  	v51 =	vmul.f32 v12, v50  }
0x159: {  	v52 =	vor.u32 $0x4, v11;
	v53 =	vmul.f32 v10, v10;
	v7 =	vadd.f32 v7, v9  }
0x15a: {  	v54 =	vmul.f32 v12, v51  }
0x15b: {  	v7 =	vadd.f32 v53, v7  }
0x15c: {  	v55 =	vsub.f32 $1.500000000e+00, v54  }
0x15d: {  	v7 =	vadd.f32 $9.999999960e-13, v7  }
0x15e: {  	v56 =	vld.idx.msk [tilespmem:v52+s10+$0x0], $0xffff;
	v9 =	vmul.f32 v12, v55  }
0x15f: {  	v11 =	vld.idx.msk [tilespmem:v52+s9+$0x0], $0xffff;
	v7 =	vmax.f32 v7, $2.500000000e-01  }
0x160: {  	v57 =	vmul.f32 v7, v7;
	v12 =	vmul.f32 v9, v50;
	_ =	sdelay $0x1  }
0x161: {  	v7 =	vmul.f32 v57, v7;
	v12 =	vmul.f32 v12, v9;
	_ =	sdelay $0x1  }
0x162: {  	v10 =	vadd.f32 v56, v11;
	(erf) = vrcp.f32 v7;
	v12 =	vsub.f32 $1.500000000e+00, v12;
	_ =	sdelay $0x1  }
0x163: {  	v58 =	vmul.f32 $5.000000000e-01, v10;
	v7 =	vmul.f32 v12, v9;
	_ =	sdelay $0x1  }
0x164: {  	v9 =	vmul.f32 v58, v58;
	v59 =	vmul.f32 v7, v50;
	_ =	sdelay $0x1  }
0x165: {  	v60 =	vmul.f32 v9, v9;
	v10 =	vmul.f32 v59, v7  }
0x166: {  	s5 =	sadd.s32 $0x10, s5  }
0x167: {  	v61 =	vld [tilespmem:s5+$0x0];
	v9 =	vmul.f32 v60, v9;
	v10 =	vsub.f32 $1.500000000e+00, v10  }
0x168: {  	v62 =	vpop (erf)  }
0x169: {  	v9 =	vmul.f32 v62, v9;
	v7 =	vmul.f32 v10, v7;
	_ =	sdelay $0x1  }
0x16a: {  	v7 =	vmul.f32 v7, v8;
	v8 =	vmul.f32 v9, v9  }
0x16b: {  	v63 =	vadd.s32 v6, v61  }
0x16c: {  	v7 =	vmul.f32 $4.000000000e+00, v7;
	v8 =	vsub.f32 v8, v9;
	_ =	sdelay $0x1  }
0x16d: {  	v7 =	vmul.f32 v7, v8;
	_ =	sdelay $0x1  }
0x16e: {  	s23 =	sadd.s32 s3, s21;
	[tilespmem:v63+s13+$0x0] =	vst.idx.add.f32.msk $0xffff, v7  }
0x16f: {  	[tilespmem:s1], [sflag:$0x6] =	stream.linear.gather [hbm4b:s23+s6], $0x320, $0x38;
	[tilespmem:$0x17E90] =	vst v63  }
0x170: {  	_ =	swait.ge [sflag:s7], $0x320  }
0x171: {  	[sflag:s7] =	ssyncset.done $0x0  }
0x172: {  	s20 =	sadd.s32 $0x1, s20;
	[sflag:s7] =	ssyncadd.s32 $0xFFFFFCE0  }
0x173: {  	p1 =	sne.s32 s20, $0x3D;
	_ =	swait.ge [sflag:s7], $0x320  }
.Ltmp3:
0x174: {  	[sflag:s7] =	ssyncset.done $0x0;
	(pc) =	sbr.rel @p1 .LBB2_4-.Ltmp3, $4  }
0x175: {  	[sflag:s7] =	ssyncadd.s32 $0xFFFFFCE0  }
0x176: {  	[tilespmem:s9], [sflag:$0x2] =	stream.indirect.gather [spmem:s4], $0x8, s28, s28, $0xb8;
	[tilespmem:$0x17E90] =	vst v63  }
0x177: {  	_ = 	snop  }
0x178: {  	[tilespmem:s10], [sflag:$0x2] =	stream.indirect.gather [spmem:s4], $0x8, s31, s28, $0xb8;
	[tilespmem:$0x17E90] =	vst v63  }
0x179: {  	_ =	swait.ge [sflag:s11], $0x1900  }
0x17a: {  	[sflag:s11] =	ssyncset.done $0x0  }
0x17b: {  	[sflag:s11] =	ssyncadd.s32 $0xFFFFE700  }
0x17c: {  	s5 =	simm.s32 $0x0;
	_ =	swait.ge [sflag:s11], $0x1900  }
0x17d: {  	v7 =	vmov s5;
	[sflag:s11] =	ssyncset.done $0x0  }
0x17e: {  	v7 =	vshll.u32 v7, $0x3;
	s8 =	rddreg [dreg:$0x10];
	[sflag:s11] =	ssyncadd.s32 $0xFFFFE700  }
0x17f: {  	v8 =	vor.u32 v5, v7;
	[tilespmem:s5], [sflag:$0x3] =	stream.linear.gather [hbm4b:s8+s5], $0x320, $0x38;
	[tilespmem:$0x17E90] =	vst v63  }
0x180: {  	v7 =	vor.u32 $0x1, v8;
	s22 =	rddreg [dreg:$0x11]  }
0x181: {  	v9 =	vor.u32 $0x3, v8;
	[tilespmem:s24], [sflag:$0x3] =	stream.linear.gather [hbm4b:s22+s5], $0x320, $0x38;
	[tilespmem:$0x17E90] =	vst v63  }
0x182: {  	_ =	swait.ge [sflag:s12], $0x320  }
0x183: {  	[sflag:s12] =	ssyncset.done $0x0  }
0x184: {  	[sflag:s12] =	ssyncadd.s32 $0xFFFFFCE0  }
0x185: {  	v10 =	vld.idx.msk [tilespmem:v7+s30+$0x0], $0xffff  }
0x186: {  	v11 =	vld.idx.msk [tilespmem:v9+s29+$0x0], $0xffff  }
0x187: {  	v14 =	vor.u32 $0x2, v8;
	v9 =	vld.idx.msk [tilespmem:v9+s30+$0x0], $0xffff  }
0x188: {  	v12 =	vld.idx.msk [tilespmem:v8+s30+$0x0], $0xffff  }
0x189: {  	v7 =	vld.idx.msk [tilespmem:v7+s29+$0x0], $0xffff  }
0x18a: {  	s23 =	simm.s32 $0x10;
	v15 =	vld.idx.msk [tilespmem:v8+s29+$0x0], $0xffff  }
0x18b: {  	v13 =	vmov s23  }
0x18c: {  	v9 =	vmul.f32 v9, v11;
	v11 =	vshll.u32 v13, $0x3;
	v13 =	vld.idx.msk [tilespmem:v14+s30+$0x0], $0xffff  }
0x18d: {  	v14 =	vld.idx.msk [tilespmem:v14+s29+$0x0], $0xffff  }
0x18e: {  	v17 =	vsub.f32 v7, v10;
	v11 =	vor.u32 v5, v11;
	v10 =	vadd.f32 $9.999999960e-13, v9  }
0x18f: {  	v16 =	vsub.f32 v15, v12;
	v7 =	vor.u32 $0x1, v11;
	v9 =	vor.u32 $0x3, v11  }
0x190: {  	s19 =	simm.s32 $0x20;
	s8 =	simm.s32 $0xC80;
	s5 =	simm.s32 $0xC80;
	v15 =	vmul.f32 v17, v17;
	v17 =	vshrl.u32 v10, $0x1;
	v12 =	vmul.f32 $5.000000000e-01, v10  }
.LBB2_10:
0x191: {  	p1 =	sne.s32 s19, $0x310  }
0x192: {  	v13 =	vsub.f32 v14, v13;
	v14 =	vmul.f32 v16, v16;
	v16 =	vsub.s32 $0x5F3759DF, v17;
	s5 =	sadd.s32 $0x10, s5;
	s18 =	smov.u32 s19;
	s19 =	sadd.s32 $0x10, s19  }
0x193: {  	v17 =	vor.u32 $0x4, v8;
	v8 =	vmov v11;
	v18 =	vmul.f32 v16, v12  }
0x194: {  	v11 =	vadd.f32 v15, v14;
	v13 =	vmul.f32 v13, v13  }
0x195: {  	v14 =	vmul.f32 v16, v18  }
0x196: {  	v11 =	vadd.f32 v13, v11  }
0x197: {  	v13 =	vsub.f32 $1.500000000e+00, v14  }
0x198: {  	v14 =	vld.idx.msk [tilespmem:v17+s30+$0x0], $0xffff;
	v11 =	vadd.f32 $9.999999960e-13, v11  }
0x199: {  	v15 =	vld.idx.msk [tilespmem:v17+s29+$0x0], $0xffff;
	v13 =	vmul.f32 v16, v13  }
0x19a: {  	v11 =	vmax.f32 v11, $2.500000000e-01  }
0x19b: {  	v16 =	vmul.f32 v13, v12;
	v17 =	vmul.f32 v11, v11;
	_ =	sdelay $0x1  }
0x19c: {  	v16 =	vmul.f32 v16, v13;
	v11 =	vmul.f32 v17, v11;
	_ =	sdelay $0x1  }
0x19d: {  	v14 =	vadd.f32 v14, v15;
	v16 =	vsub.f32 $1.500000000e+00, v16;
	(erf) = vrcp.f32 v11;
	_ =	sdelay $0x1  }
0x19e: {  	v11 =	vmul.f32 v16, v13;
	v13 =	vmul.f32 $5.000000000e-01, v14;
	_ =	sdelay $0x1  }
0x19f: {  	v12 =	vmul.f32 v11, v12;
	v13 =	vmul.f32 v13, v13;
	_ =	sdelay $0x1  }
0x1a0: {  	v12 =	vmul.f32 v12, v11;
	v16 =	vmul.f32 v13, v13;
	_ =	sdelay $0x1  }
0x1a1: {  	v15 =	vld [tilespmem:s8+$0x0];
	v12 =	vsub.f32 $1.500000000e+00, v12;
	v13 =	vmul.f32 v16, v13;
	s8 =	smov.u32 s5  }
0x1a2: {  	v14 =	vpop (erf)  }
0x1a3: {  	v11 =	vmul.f32 v12, v11;
	v12 =	vmul.f32 v14, v13;
	_ =	sdelay $0x1  }
0x1a4: {  	v10 =	vmul.f32 v11, v10;
	v11 =	vmul.f32 v12, v12  }
0x1a5: {  	v13 =	vadd.s32 v6, v15  }
0x1a6: {  	v10 =	vmul.f32 $4.000000000e+00, v10;
	v11 =	vsub.f32 v11, v12;
	_ =	sdelay $0x1  }
0x1a7: {  	v10 =	vmul.f32 v10, v11;
	_ =	sdelay $0x1  }
0x1a8: {  	[tilespmem:v13+s13+$0x0] =	vst.idx.add.f32.msk $0xffff, v10  }
0x1a9: {  	v10 =	vld.idx.msk [tilespmem:v7+s30+$0x0], $0xffff  }
0x1aa: {  	v11 =	vor.u32 $0x2, v8;
	v12 =	vld.idx.msk [tilespmem:v9+s29+$0x0], $0xffff  }
0x1ab: {  	v9 =	vld.idx.msk [tilespmem:v9+s30+$0x0], $0xffff  }
0x1ac: {  	v15 =	vld.idx.msk [tilespmem:v8+s30+$0x0], $0xffff  }
0x1ad: {  	v7 =	vld.idx.msk [tilespmem:v7+s29+$0x0], $0xffff  }
0x1ae: {  	v16 =	vld.idx.msk [tilespmem:v8+s29+$0x0], $0xffff  }
0x1af: {  	v13 =	vld.idx.msk [tilespmem:v11+s30+$0x0], $0xffff  }
0x1b0: {  	v14 =	vld.idx.msk [tilespmem:v11+s29+$0x0], $0xffff  }
.Ltmp4:
0x1b1: {  	v11 =	vmov s18;
	v9 =	vmul.f32 v9, v12;
	(pc) =	sbr.rel @p1 .LBB2_10-.Ltmp4, $4  }
0x1b2: {  	v11 =	vshll.u32 v11, $0x3  }
0x1b3: {  	v11 =	vor.u32 v5, v11;
	v12 =	vsub.f32 v7, v10;
	v10 =	vadd.f32 $9.999999960e-13, v9  }
0x1b4: {  	v7 =	vor.u32 $0x1, v11;
	v9 =	vor.u32 $0x3, v11;
	v16 =	vsub.f32 v16, v15  }
0x1b5: {  	v15 =	vmul.f32 v12, v12;
	v17 =	vshrl.u32 v10, $0x1;
	v12 =	vmul.f32 $5.000000000e-01, v10  }
0x1b6: {  	v13 =	vsub.f32 v14, v13;
	v14 =	vmul.f32 v16, v16;
	v16 =	vsub.s32 $0x5F3759DF, v17  }
0x1b7: {  	v8 =	vor.u32 $0x4, v8;
	v17 =	vmul.f32 v16, v12  }
0x1b8: {  	v14 =	vadd.f32 v15, v14;
	v13 =	vmul.f32 v13, v13  }
0x1b9: {  	v15 =	vmul.f32 v16, v17  }
0x1ba: {  	v13 =	vadd.f32 v13, v14  }
0x1bb: {  	v14 =	vsub.f32 $1.500000000e+00, v15  }
0x1bc: {  	v15 =	vld.idx.msk [tilespmem:v8+s30+$0x0], $0xffff;
	v13 =	vadd.f32 $9.999999960e-13, v13  }
0x1bd: {  	v8 =	vld.idx.msk [tilespmem:v8+s29+$0x0], $0xffff;
	v14 =	vmul.f32 v16, v14  }
0x1be: {  	v13 =	vmax.f32 v13, $2.500000000e-01  }
0x1bf: {  	v16 =	vmul.f32 v14, v12;
	v17 =	vmul.f32 v13, v13;
	_ =	sdelay $0x1  }
0x1c0: {  	v16 =	vmul.f32 v16, v14;
	v13 =	vmul.f32 v17, v13  }
0x1c1: {  	v8 =	vadd.f32 v15, v8  }
0x1c2: {  	v16 =	vsub.f32 $1.500000000e+00, v16;
	(erf) = vrcp.f32 v13  }
0x1c3: {  	v8 =	vmul.f32 $5.000000000e-01, v8  }
0x1c4: {  	v13 =	vmul.f32 v16, v14  }
0x1c5: {  	v8 =	vmul.f32 v8, v8  }
0x1c6: {  	v12 =	vmul.f32 v13, v12  }
0x1c7: {  	v14 =	vmul.f32 v8, v8  }
0x1c8: {  	v12 =	vmul.f32 v12, v13;
	_ =	sdelay $0x1  }
0x1c9: {  	v15 =	vld [tilespmem:s8+$0x0];
	v8 =	vmul.f32 v14, v8;
	v12 =	vsub.f32 $1.500000000e+00, v12  }
0x1ca: {  	v14 =	vpop (erf)  }
0x1cb: {  	v12 =	vmul.f32 v12, v13;
	v8 =	vmul.f32 v14, v8;
	_ =	sdelay $0x1  }
0x1cc: {  	v10 =	vmul.f32 v12, v10;
	v12 =	vmul.f32 v8, v8  }
0x1cd: {  	v13 =	vadd.s32 v6, v15  }
0x1ce: {  	v10 =	vmul.f32 $4.000000000e+00, v10;
	v8 =	vsub.f32 v12, v8;
	_ =	sdelay $0x1  }
0x1cf: {  	v8 =	vmul.f32 v10, v8;
	_ =	sdelay $0x1  }
0x1d0: {  	[tilespmem:v13+s13+$0x0] =	vst.idx.add.f32.msk $0xffff, v8  }
0x1d1: {  	v12 =	vld.idx.msk [tilespmem:v9+s29+$0x0], $0xffff  }
0x1d2: {  	v10 =	vor.u32 $0x2, v11;
	v9 =	vld.idx.msk [tilespmem:v9+s30+$0x0], $0xffff  }
0x1d3: {  	v8 =	vld.idx.msk [tilespmem:v7+s30+$0x0], $0xffff  }
0x1d4: {  	v7 =	vld.idx.msk [tilespmem:v7+s29+$0x0], $0xffff  }
0x1d5: {  	v13 =	vld.idx.msk [tilespmem:v11+s30+$0x0], $0xffff  }
0x1d6: {  	v14 =	vld.idx.msk [tilespmem:v11+s29+$0x0], $0xffff  }
0x1d7: {  	v15 =	vld.idx.msk [tilespmem:v10+s30+$0x0], $0xffff;
	v9 =	vmul.f32 v9, v12  }
0x1d8: {  	v10 =	vld.idx.msk [tilespmem:v10+s29+$0x0], $0xffff  }
0x1d9: {  	v7 =	vsub.f32 v7, v8;
	v8 =	vadd.f32 $9.999999960e-13, v9;
	_ =	sdelay $0x1  }
0x1da: {  	v9 =	vsub.f32 v14, v13;
	v12 =	vshrl.u32 v8, $0x1;
	v13 =	vmul.f32 $5.000000000e-01, v8  }
0x1db: {  	v7 =	vmul.f32 v7, v7;
	v12 =	vsub.s32 $0x5F3759DF, v12  }
0x1dc: {  	v10 =	vsub.f32 v10, v15;
	v9 =	vmul.f32 v9, v9;
	v14 =	vmul.f32 v12, v13  }
0x1dd: {  	v11 =	vor.u32 $0x4, v11  }
0x1de: {  	v7 =	vadd.f32 v7, v9;
	v9 =	vmul.f32 v10, v10;
	v10 =	vmul.f32 v12, v14;
	_ =	sdelay $0x1  }
0x1df: {  	v7 =	vadd.f32 v9, v7;
	v9 =	vsub.f32 $1.500000000e+00, v10;
	_ =	sdelay $0x1  }
0x1e0: {  	v7 =	vadd.f32 $9.999999960e-13, v7;
	v10 =	vld.idx.msk [tilespmem:v11+s30+$0x0], $0xffff;
	v9 =	vmul.f32 v12, v9  }
0x1e1: {  	v11 =	vld.idx.msk [tilespmem:v11+s29+$0x0], $0xffff  }
0x1e2: {  	v7 =	vmax.f32 v7, $2.500000000e-01;
	v12 =	vmul.f32 v9, v13  }
0x1e3: {  	v14 =	vmul.f32 v7, v7  }
0x1e4: {  	v12 =	vmul.f32 v12, v9  }
0x1e5: {  	v7 =	vmul.f32 v14, v7  }
0x1e6: {  	v10 =	vadd.f32 v10, v11;
	v12 =	vsub.f32 $1.500000000e+00, v12  }
0x1e7: {  	(erf) = vrcp.f32 v7  }
0x1e8: {  	v7 =	vmul.f32 v12, v9;
	v9 =	vmul.f32 $5.000000000e-01, v10;
	_ =	sdelay $0x1  }
0x1e9: {  	v9 =	vmul.f32 v9, v9  }
0x1ea: {  	v10 =	vmul.f32 v7, v13  }
0x1eb: {  	v11 =	vmul.f32 v9, v9  }
0x1ec: {  	v10 =	vmul.f32 v10, v7  }
0x1ed: {  	s5 =	sadd.s32 $0x10, s5  }
0x1ee: {  	v12 =	vld [tilespmem:s5+$0x0];
	v10 =	vsub.f32 $1.500000000e+00, v10;
	v9 =	vmul.f32 v11, v9  }
0x1ef: {  	v11 =	vpop (erf)  }
0x1f0: {  	v7 =	vmul.f32 v10, v7;
	v9 =	vmul.f32 v11, v9;
	_ =	sdelay $0x1  }
0x1f1: {  	v7 =	vmul.f32 v7, v8;
	v8 =	vmul.f32 v9, v9  }
0x1f2: {  	v10 =	vadd.s32 v6, v12  }
0x1f3: {  	v7 =	vmul.f32 $4.000000000e+00, v7;
	v8 =	vsub.f32 v8, v9;
	_ =	sdelay $0x1  }
0x1f4: {  	v7 =	vmul.f32 v7, v8;
	_ =	sdelay $0x1  }
0x1f5: {  	s21 =	simm.s32 $0x0;
	s22 =	rddreg [dreg:$0x12];
	[tilespmem:v10+s13+$0x0] =	vst.idx.add.f32.msk $0xffff, v7  }
0x1f6: {  	[tilespmem:s25], [sflag:$0x5] =	stream.linear.gather [hbm4b:s22+s21], $0x320, $0x38;
	[tilespmem:$0x17E90] =	vst v63  }
0x1f7: {  	_ =	swait.ge [sflag:s26], $0x320  }
0x1f8: {  	[sflag:s26] =	ssyncset.done $0x0  }
0x1f9: {  	[sflag:s26] =	ssyncadd.s32 $0xFFFFFCE0  }
0x1fa: {  	_ =	swait.ge [sflag:s26], $0x320  }
0x1fb: {  	[sflag:s26] =	ssyncset.done $0x0  }
0x1fc: {  	[sflag:s26] =	ssyncadd.s32 $0xFFFFFCE0  }
0x1fd: {  	[tilespmem:s29], [sflag:$0x1] =	stream.indirect.gather [spmem:s4], $0x8, s21, s28, $0xb8;
	[tilespmem:$0x17E90] =	vst v63  }
0x1fe: {  	_ = 	snop  }
0x1ff: {  	[tilespmem:s30], [sflag:$0x1] =	stream.indirect.gather [spmem:s4], $0x8, s24, s28, $0xb8;
	[tilespmem:$0x17E90] =	vst v63  }
0x200: {  	_ =	swait.ge [sflag:s14], $0x1900  }
0x201: {  	v7 =	vmov s21;
	[sflag:s14] =	ssyncset.done $0x0  }
0x202: {  	v7 =	vshll.u32 v7, $0x3;
	[sflag:s14] =	ssyncadd.s32 $0xFFFFE700  }
0x203: {  	v8 =	vor.u32 v5, v7;
	_ =	swait.ge [sflag:s14], $0x1900  }
0x204: {  	v7 =	vor.u32 $0x1, v8;
	[sflag:s14] =	ssyncset.done $0x0  }
0x205: {  	v9 =	vor.u32 $0x3, v8;
	[sflag:s14] =	ssyncadd.s32 $0xFFFFE700  }
0x206: {  	_ =	swait.ge [sflag:s17], $0x320  }
0x207: {  	[sflag:s17] =	ssyncset.done $0x0  }
0x208: {  	[sflag:s17] =	ssyncadd.s32 $0xFFFFFCE0  }
0x209: {  	v10 =	vld.idx.msk [tilespmem:v7+s10+$0x0], $0xffff  }
0x20a: {  	v11 =	vld.idx.msk [tilespmem:v9+s9+$0x0], $0xffff  }
0x20b: {  	v14 =	vor.u32 $0x2, v8;
	v9 =	vld.idx.msk [tilespmem:v9+s10+$0x0], $0xffff  }
0x20c: {  	v12 =	vld.idx.msk [tilespmem:v8+s10+$0x0], $0xffff  }
0x20d: {  	v7 =	vld.idx.msk [tilespmem:v7+s9+$0x0], $0xffff  }
0x20e: {  	s23 =	simm.s32 $0x10;
	v15 =	vld.idx.msk [tilespmem:v8+s9+$0x0], $0xffff  }
0x20f: {  	v13 =	vmov s23  }
0x210: {  	v9 =	vmul.f32 v9, v11;
	v11 =	vshll.u32 v13, $0x3;
	v13 =	vld.idx.msk [tilespmem:v14+s10+$0x0], $0xffff  }
0x211: {  	v14 =	vld.idx.msk [tilespmem:v14+s9+$0x0], $0xffff  }
0x212: {  	v17 =	vsub.f32 v7, v10;
	v11 =	vor.u32 v5, v11;
	v10 =	vadd.f32 $9.999999960e-13, v9  }
0x213: {  	s19 =	simm.s32 $0x20;
	s20 =	simm.s32 $0x7;
	v16 =	vsub.f32 v15, v12;
	v7 =	vor.u32 $0x1, v11;
	v9 =	vor.u32 $0x3, v11  }
0x214: {  	s8 =	simm.s32 $0xFA0;
	s5 =	simm.s32 $0xFA0;
	s21 =	rddreg [dreg:$0x16];
	v15 =	vmul.f32 v17, v17;
	v17 =	vshrl.u32 v10, $0x1;
	v12 =	vmul.f32 $5.000000000e-01, v10  }
.LBB2_12:
0x215: {  	p1 =	sne.s32 s19, $0x310  }
0x216: {  	v13 =	vsub.f32 v14, v13;
	v14 =	vmul.f32 v16, v16;
	v16 =	vsub.s32 $0x5F3759DF, v17;
	s5 =	sadd.s32 $0x10, s5;
	s18 =	smov.u32 s19;
	s19 =	sadd.s32 $0x10, s19  }
0x217: {  	v17 =	vor.u32 $0x4, v8;
	v8 =	vmov v11;
	v18 =	vmul.f32 v16, v12  }
0x218: {  	v11 =	vadd.f32 v15, v14;
	v13 =	vmul.f32 v13, v13  }
0x219: {  	v14 =	vmul.f32 v16, v18  }
0x21a: {  	v11 =	vadd.f32 v13, v11  }
0x21b: {  	v13 =	vsub.f32 $1.500000000e+00, v14  }
0x21c: {  	v14 =	vld.idx.msk [tilespmem:v17+s10+$0x0], $0xffff;
	v11 =	vadd.f32 $9.999999960e-13, v11  }
0x21d: {  	v15 =	vld.idx.msk [tilespmem:v17+s9+$0x0], $0xffff;
	v13 =	vmul.f32 v16, v13  }
0x21e: {  	v11 =	vmax.f32 v11, $2.500000000e-01  }
0x21f: {  	v16 =	vmul.f32 v13, v12;
	v17 =	vmul.f32 v11, v11;
	_ =	sdelay $0x1  }
0x220: {  	v16 =	vmul.f32 v16, v13;
	v11 =	vmul.f32 v17, v11;
	_ =	sdelay $0x1  }
0x221: {  	v14 =	vadd.f32 v14, v15;
	v16 =	vsub.f32 $1.500000000e+00, v16;
	(erf) = vrcp.f32 v11;
	_ =	sdelay $0x1  }
0x222: {  	v11 =	vmul.f32 v16, v13;
	v13 =	vmul.f32 $5.000000000e-01, v14;
	_ =	sdelay $0x1  }
0x223: {  	v12 =	vmul.f32 v11, v12;
	v13 =	vmul.f32 v13, v13;
	_ =	sdelay $0x1  }
0x224: {  	v12 =	vmul.f32 v12, v11;
	v16 =	vmul.f32 v13, v13;
	_ =	sdelay $0x1  }
0x225: {  	v15 =	vld [tilespmem:s8+$0x0];
	v12 =	vsub.f32 $1.500000000e+00, v12;
	v13 =	vmul.f32 v16, v13;
	s8 =	smov.u32 s5  }
0x226: {  	v14 =	vpop (erf)  }
0x227: {  	v11 =	vmul.f32 v12, v11;
	v12 =	vmul.f32 v14, v13;
	_ =	sdelay $0x1  }
0x228: {  	v10 =	vmul.f32 v11, v10;
	v11 =	vmul.f32 v12, v12  }
0x229: {  	v13 =	vadd.s32 v6, v15  }
0x22a: {  	v10 =	vmul.f32 $4.000000000e+00, v10;
	v11 =	vsub.f32 v11, v12;
	_ =	sdelay $0x1  }
0x22b: {  	v10 =	vmul.f32 v10, v11;
	_ =	sdelay $0x1  }
0x22c: {  	[tilespmem:v13+s13+$0x0] =	vst.idx.add.f32.msk $0xffff, v10  }
0x22d: {  	v10 =	vld.idx.msk [tilespmem:v7+s10+$0x0], $0xffff  }
0x22e: {  	v11 =	vor.u32 $0x2, v8;
	v12 =	vld.idx.msk [tilespmem:v9+s9+$0x0], $0xffff  }
0x22f: {  	v9 =	vld.idx.msk [tilespmem:v9+s10+$0x0], $0xffff  }
0x230: {  	v15 =	vld.idx.msk [tilespmem:v8+s10+$0x0], $0xffff  }
0x231: {  	v7 =	vld.idx.msk [tilespmem:v7+s9+$0x0], $0xffff  }
0x232: {  	v16 =	vld.idx.msk [tilespmem:v8+s9+$0x0], $0xffff  }
0x233: {  	v13 =	vld.idx.msk [tilespmem:v11+s10+$0x0], $0xffff  }
0x234: {  	v14 =	vld.idx.msk [tilespmem:v11+s9+$0x0], $0xffff  }
.Ltmp5:
0x235: {  	v11 =	vmov s18;
	v9 =	vmul.f32 v9, v12;
	(pc) =	sbr.rel @p1 .LBB2_12-.Ltmp5, $4  }
0x236: {  	v11 =	vshll.u32 v11, $0x3  }
0x237: {  	v11 =	vor.u32 v5, v11;
	v12 =	vsub.f32 v7, v10;
	v10 =	vadd.f32 $9.999999960e-13, v9  }
0x238: {  	v7 =	vor.u32 $0x1, v11;
	v9 =	vor.u32 $0x3, v11;
	v16 =	vsub.f32 v16, v15  }
0x239: {  	v15 =	vmul.f32 v12, v12;
	v17 =	vshrl.u32 v10, $0x1;
	v12 =	vmul.f32 $5.000000000e-01, v10  }
0x23a: {  	v13 =	vsub.f32 v14, v13;
	v14 =	vmul.f32 v16, v16;
	v16 =	vsub.s32 $0x5F3759DF, v17  }
0x23b: {  	v8 =	vor.u32 $0x4, v8;
	v17 =	vmul.f32 v16, v12  }
0x23c: {  	v14 =	vadd.f32 v15, v14;
	v13 =	vmul.f32 v13, v13  }
0x23d: {  	v15 =	vmul.f32 v16, v17  }
0x23e: {  	v13 =	vadd.f32 v13, v14  }
0x23f: {  	v14 =	vsub.f32 $1.500000000e+00, v15  }
0x240: {  	v15 =	vld.idx.msk [tilespmem:v8+s10+$0x0], $0xffff;
	v13 =	vadd.f32 $9.999999960e-13, v13  }
0x241: {  	v8 =	vld.idx.msk [tilespmem:v8+s9+$0x0], $0xffff;
	v14 =	vmul.f32 v16, v14  }
0x242: {  	v13 =	vmax.f32 v13, $2.500000000e-01  }
0x243: {  	v16 =	vmul.f32 v14, v12;
	v17 =	vmul.f32 v13, v13;
	_ =	sdelay $0x1  }
0x244: {  	v16 =	vmul.f32 v16, v14;
	v13 =	vmul.f32 v17, v13  }
0x245: {  	v8 =	vadd.f32 v15, v8  }
0x246: {  	v16 =	vsub.f32 $1.500000000e+00, v16;
	(erf) = vrcp.f32 v13  }
0x247: {  	v8 =	vmul.f32 $5.000000000e-01, v8  }
0x248: {  	v13 =	vmul.f32 v16, v14  }
0x249: {  	v8 =	vmul.f32 v8, v8  }
0x24a: {  	v12 =	vmul.f32 v13, v12  }
0x24b: {  	v14 =	vmul.f32 v8, v8  }
0x24c: {  	v12 =	vmul.f32 v12, v13;
	_ =	sdelay $0x1  }
0x24d: {  	v15 =	vld [tilespmem:s8+$0x0];
	v8 =	vmul.f32 v14, v8;
	v12 =	vsub.f32 $1.500000000e+00, v12  }
0x24e: {  	v14 =	vpop (erf)  }
0x24f: {  	v12 =	vmul.f32 v12, v13;
	v8 =	vmul.f32 v14, v8;
	_ =	sdelay $0x1  }
0x250: {  	v10 =	vmul.f32 v12, v10;
	v12 =	vmul.f32 v8, v8  }
0x251: {  	v13 =	vadd.s32 v6, v15  }
0x252: {  	v10 =	vmul.f32 $4.000000000e+00, v10;
	v8 =	vsub.f32 v12, v8;
	_ =	sdelay $0x1  }
0x253: {  	v8 =	vmul.f32 v10, v8;
	_ =	sdelay $0x1  }
0x254: {  	[tilespmem:v13+s13+$0x0] =	vst.idx.add.f32.msk $0xffff, v8  }
0x255: {  	v12 =	vld.idx.msk [tilespmem:v9+s9+$0x0], $0xffff  }
0x256: {  	v10 =	vor.u32 $0x2, v11;
	v9 =	vld.idx.msk [tilespmem:v9+s10+$0x0], $0xffff  }
0x257: {  	v8 =	vld.idx.msk [tilespmem:v7+s10+$0x0], $0xffff  }
0x258: {  	v7 =	vld.idx.msk [tilespmem:v7+s9+$0x0], $0xffff  }
0x259: {  	v13 =	vld.idx.msk [tilespmem:v11+s10+$0x0], $0xffff  }
0x25a: {  	v14 =	vld.idx.msk [tilespmem:v11+s9+$0x0], $0xffff  }
0x25b: {  	v15 =	vld.idx.msk [tilespmem:v10+s10+$0x0], $0xffff;
	v9 =	vmul.f32 v9, v12  }
0x25c: {  	v10 =	vld.idx.msk [tilespmem:v10+s9+$0x0], $0xffff  }
0x25d: {  	v7 =	vsub.f32 v7, v8;
	v8 =	vadd.f32 $9.999999960e-13, v9;
	_ =	sdelay $0x1  }
0x25e: {  	v9 =	vsub.f32 v14, v13;
	v12 =	vshrl.u32 v8, $0x1;
	v13 =	vmul.f32 $5.000000000e-01, v8  }
0x25f: {  	v7 =	vmul.f32 v7, v7;
	v12 =	vsub.s32 $0x5F3759DF, v12  }
0x260: {  	v10 =	vsub.f32 v10, v15;
	v9 =	vmul.f32 v9, v9;
	v14 =	vmul.f32 v12, v13  }
0x261: {  	v11 =	vor.u32 $0x4, v11  }
0x262: {  	v7 =	vadd.f32 v7, v9;
	v9 =	vmul.f32 v10, v10;
	v10 =	vmul.f32 v12, v14;
	_ =	sdelay $0x1  }
0x263: {  	v7 =	vadd.f32 v9, v7;
	v9 =	vsub.f32 $1.500000000e+00, v10;
	_ =	sdelay $0x1  }
0x264: {  	v7 =	vadd.f32 $9.999999960e-13, v7;
	v10 =	vld.idx.msk [tilespmem:v11+s10+$0x0], $0xffff;
	v9 =	vmul.f32 v12, v9  }
0x265: {  	v11 =	vld.idx.msk [tilespmem:v11+s9+$0x0], $0xffff  }
0x266: {  	v7 =	vmax.f32 v7, $2.500000000e-01;
	v12 =	vmul.f32 v9, v13  }
0x267: {  	v14 =	vmul.f32 v7, v7  }
0x268: {  	v12 =	vmul.f32 v12, v9  }
0x269: {  	v7 =	vmul.f32 v14, v7  }
0x26a: {  	v10 =	vadd.f32 v10, v11;
	v12 =	vsub.f32 $1.500000000e+00, v12  }
0x26b: {  	(erf) = vrcp.f32 v7  }
0x26c: {  	v7 =	vmul.f32 v12, v9;
	v9 =	vmul.f32 $5.000000000e-01, v10;
	_ =	sdelay $0x1  }
0x26d: {  	v9 =	vmul.f32 v9, v9  }
0x26e: {  	v10 =	vmul.f32 v7, v13  }
0x26f: {  	v11 =	vmul.f32 v9, v9  }
0x270: {  	v10 =	vmul.f32 v10, v7  }
0x271: {  	s5 =	sadd.s32 $0x10, s5  }
0x272: {  	v12 =	vld [tilespmem:s5+$0x0];
	v10 =	vsub.f32 $1.500000000e+00, v10;
	v9 =	vmul.f32 v11, v9  }
0x273: {  	v11 =	vpop (erf)  }
0x274: {  	v7 =	vmul.f32 v10, v7;
	v9 =	vmul.f32 v11, v9;
	_ =	sdelay $0x1  }
0x275: {  	v7 =	vmul.f32 v7, v8;
	v8 =	vmul.f32 v9, v9  }
0x276: {  	v10 =	vadd.s32 v6, v12  }
0x277: {  	v7 =	vmul.f32 $4.000000000e+00, v7;
	v8 =	vsub.f32 v8, v9;
	_ =	sdelay $0x1  }
0x278: {  	v7 =	vmul.f32 v7, v8;
	_ =	sdelay $0x1  }
0x279: {  	[tilespmem:v10+s13+$0x0] =	vst.idx.add.f32.msk $0xffff, v7  }
0x27a: {  	s22 =	simm.s32 $0x0;
	_ =	swait.ge [sflag:s11], $0x1900  }
0x27b: {  	v7 =	vmov s22;
	[sflag:s11] =	ssyncset.done $0x0  }
0x27c: {  	v7 =	vshll.u32 v7, $0x3;
	[sflag:s11] =	ssyncadd.s32 $0xFFFFE700  }
0x27d: {  	v8 =	vor.u32 v5, v7;
	_ =	swait.ge [sflag:s11], $0x1900  }
0x27e: {  	v7 =	vor.u32 $0x1, v8;
	[sflag:s11] =	ssyncset.done $0x0  }
0x27f: {  	v9 =	vor.u32 $0x3, v8;
	[sflag:s11] =	ssyncadd.s32 $0xFFFFE700  }
0x280: {  	_ =	swait.ge [sflag:s12], $0x320  }
0x281: {  	[sflag:s12] =	ssyncset.done $0x0  }
0x282: {  	[sflag:s12] =	ssyncadd.s32 $0xFFFFFCE0  }
0x283: {  	v10 =	vld.idx.msk [tilespmem:v7+s30+$0x0], $0xffff  }
0x284: {  	v11 =	vld.idx.msk [tilespmem:v9+s29+$0x0], $0xffff  }
0x285: {  	v14 =	vor.u32 $0x2, v8;
	v9 =	vld.idx.msk [tilespmem:v9+s30+$0x0], $0xffff  }
0x286: {  	v12 =	vld.idx.msk [tilespmem:v8+s30+$0x0], $0xffff  }
0x287: {  	v7 =	vld.idx.msk [tilespmem:v7+s29+$0x0], $0xffff  }
0x288: {  	s23 =	simm.s32 $0x10;
	v15 =	vld.idx.msk [tilespmem:v8+s29+$0x0], $0xffff  }
0x289: {  	v13 =	vmov s23  }
0x28a: {  	v9 =	vmul.f32 v9, v11;
	v11 =	vshll.u32 v13, $0x3;
	v13 =	vld.idx.msk [tilespmem:v14+s30+$0x0], $0xffff  }
0x28b: {  	v14 =	vld.idx.msk [tilespmem:v14+s29+$0x0], $0xffff  }
0x28c: {  	v17 =	vsub.f32 v7, v10;
	v11 =	vor.u32 v5, v11;
	v10 =	vadd.f32 $9.999999960e-13, v9  }
0x28d: {  	v16 =	vsub.f32 v15, v12;
	v7 =	vor.u32 $0x1, v11;
	v9 =	vor.u32 $0x3, v11  }
0x28e: {  	s19 =	simm.s32 $0x20;
	s8 =	simm.s32 $0xC80;
	s5 =	simm.s32 $0xC80;
	v15 =	vmul.f32 v17, v17;
	v17 =	vshrl.u32 v10, $0x1;
	v12 =	vmul.f32 $5.000000000e-01, v10  }
.LBB2_14:
0x28f: {  	p1 =	sne.s32 s19, $0x310  }
0x290: {  	v13 =	vsub.f32 v14, v13;
	v14 =	vmul.f32 v16, v16;
	v16 =	vsub.s32 $0x5F3759DF, v17;
	s5 =	sadd.s32 $0x10, s5;
	s18 =	smov.u32 s19;
	s19 =	sadd.s32 $0x10, s19  }
0x291: {  	v17 =	vor.u32 $0x4, v8;
	v8 =	vmov v11;
	v18 =	vmul.f32 v16, v12  }
0x292: {  	v11 =	vadd.f32 v15, v14;
	v13 =	vmul.f32 v13, v13  }
0x293: {  	v14 =	vmul.f32 v16, v18  }
0x294: {  	v11 =	vadd.f32 v13, v11  }
0x295: {  	v13 =	vsub.f32 $1.500000000e+00, v14  }
0x296: {  	v14 =	vld.idx.msk [tilespmem:v17+s30+$0x0], $0xffff;
	v11 =	vadd.f32 $9.999999960e-13, v11  }
0x297: {  	v15 =	vld.idx.msk [tilespmem:v17+s29+$0x0], $0xffff;
	v13 =	vmul.f32 v16, v13  }
0x298: {  	v11 =	vmax.f32 v11, $2.500000000e-01  }
0x299: {  	v16 =	vmul.f32 v13, v12;
	v17 =	vmul.f32 v11, v11;
	_ =	sdelay $0x1  }
0x29a: {  	v16 =	vmul.f32 v16, v13;
	v11 =	vmul.f32 v17, v11;
	_ =	sdelay $0x1  }
0x29b: {  	v14 =	vadd.f32 v14, v15;
	v16 =	vsub.f32 $1.500000000e+00, v16;
	(erf) = vrcp.f32 v11;
	_ =	sdelay $0x1  }
0x29c: {  	v11 =	vmul.f32 v16, v13;
	v13 =	vmul.f32 $5.000000000e-01, v14;
	_ =	sdelay $0x1  }
0x29d: {  	v12 =	vmul.f32 v11, v12;
	v13 =	vmul.f32 v13, v13;
	_ =	sdelay $0x1  }
0x29e: {  	v12 =	vmul.f32 v12, v11;
	v16 =	vmul.f32 v13, v13;
	_ =	sdelay $0x1  }
0x29f: {  	v15 =	vld [tilespmem:s8+$0x0];
	v12 =	vsub.f32 $1.500000000e+00, v12;
	v13 =	vmul.f32 v16, v13;
	s8 =	smov.u32 s5  }
0x2a0: {  	v14 =	vpop (erf)  }
0x2a1: {  	v11 =	vmul.f32 v12, v11;
	v12 =	vmul.f32 v14, v13;
	_ =	sdelay $0x1  }
0x2a2: {  	v10 =	vmul.f32 v11, v10;
	v11 =	vmul.f32 v12, v12  }
0x2a3: {  	v13 =	vadd.s32 v6, v15  }
0x2a4: {  	v10 =	vmul.f32 $4.000000000e+00, v10;
	v11 =	vsub.f32 v11, v12;
	_ =	sdelay $0x1  }
0x2a5: {  	v10 =	vmul.f32 v10, v11;
	_ =	sdelay $0x1  }
0x2a6: {  	[tilespmem:v13+s13+$0x0] =	vst.idx.add.f32.msk $0xffff, v10  }
0x2a7: {  	v10 =	vld.idx.msk [tilespmem:v7+s30+$0x0], $0xffff  }
0x2a8: {  	v11 =	vor.u32 $0x2, v8;
	v12 =	vld.idx.msk [tilespmem:v9+s29+$0x0], $0xffff  }
0x2a9: {  	v9 =	vld.idx.msk [tilespmem:v9+s30+$0x0], $0xffff  }
0x2aa: {  	v15 =	vld.idx.msk [tilespmem:v8+s30+$0x0], $0xffff  }
0x2ab: {  	v7 =	vld.idx.msk [tilespmem:v7+s29+$0x0], $0xffff  }
0x2ac: {  	v16 =	vld.idx.msk [tilespmem:v8+s29+$0x0], $0xffff  }
0x2ad: {  	v13 =	vld.idx.msk [tilespmem:v11+s30+$0x0], $0xffff  }
0x2ae: {  	v14 =	vld.idx.msk [tilespmem:v11+s29+$0x0], $0xffff  }
.Ltmp6:
0x2af: {  	v11 =	vmov s18;
	v9 =	vmul.f32 v9, v12;
	(pc) =	sbr.rel @p1 .LBB2_14-.Ltmp6, $4  }
0x2b0: {  	v11 =	vshll.u32 v11, $0x3  }
0x2b1: {  	v11 =	vor.u32 v5, v11;
	v12 =	vsub.f32 v7, v10;
	v10 =	vadd.f32 $9.999999960e-13, v9  }
0x2b2: {  	v7 =	vor.u32 $0x1, v11;
	v9 =	vor.u32 $0x3, v11;
	v16 =	vsub.f32 v16, v15  }
0x2b3: {  	v15 =	vmul.f32 v12, v12;
	v17 =	vshrl.u32 v10, $0x1;
	v12 =	vmul.f32 $5.000000000e-01, v10  }
0x2b4: {  	v13 =	vsub.f32 v14, v13;
	v14 =	vmul.f32 v16, v16;
	v61 =	vsub.s32 $0x5F3759DF, v17  }
0x2b5: {  	v8 =	vor.u32 $0x4, v8;
	v17 =	vmul.f32 v61, v12  }
0x2b6: {  	v14 =	vadd.f32 v15, v14;
	v13 =	vmul.f32 v13, v13  }
0x2b7: {  	v15 =	vmul.f32 v61, v17  }
0x2b8: {  	v13 =	vadd.f32 v13, v14  }
0x2b9: {  	v14 =	vsub.f32 $1.500000000e+00, v15  }
0x2ba: {  	v15 =	vld.idx.msk [tilespmem:v8+s30+$0x0], $0xffff;
	v13 =	vadd.f32 $9.999999960e-13, v13  }
0x2bb: {  	v8 =	vld.idx.msk [tilespmem:v8+s29+$0x0], $0xffff;
	v14 =	vmul.f32 v61, v14  }
0x2bc: {  	v13 =	vmax.f32 v13, $2.500000000e-01  }
0x2bd: {  	v16 =	vmul.f32 v14, v12;
	v62 =	vmul.f32 v13, v13;
	_ =	sdelay $0x1  }
0x2be: {  	v16 =	vmul.f32 v16, v14;
	v13 =	vmul.f32 v62, v13  }
0x2bf: {  	v8 =	vadd.f32 v15, v8  }
0x2c0: {  	v16 =	vsub.f32 $1.500000000e+00, v16;
	(erf) = vrcp.f32 v13  }
0x2c1: {  	v8 =	vmul.f32 $5.000000000e-01, v8  }
0x2c2: {  	v13 =	vmul.f32 v16, v14  }
0x2c3: {  	v8 =	vmul.f32 v8, v8  }
0x2c4: {  	v12 =	vmul.f32 v13, v12  }
0x2c5: {  	v14 =	vmul.f32 v8, v8  }
0x2c6: {  	v12 =	vmul.f32 v12, v13;
	_ =	sdelay $0x1  }
0x2c7: {  	v15 =	vld [tilespmem:s8+$0x0];
	v8 =	vmul.f32 v14, v8;
	v12 =	vsub.f32 $1.500000000e+00, v12  }
0x2c8: {  	v14 =	vpop (erf)  }
0x2c9: {  	v12 =	vmul.f32 v12, v13;
	v8 =	vmul.f32 v14, v8;
	_ =	sdelay $0x1  }
0x2ca: {  	v10 =	vmul.f32 v12, v10;
	v12 =	vmul.f32 v8, v8  }
0x2cb: {  	v13 =	vadd.s32 v6, v15  }
0x2cc: {  	v10 =	vmul.f32 $4.000000000e+00, v10;
	v8 =	vsub.f32 v12, v8;
	_ =	sdelay $0x1  }
0x2cd: {  	v8 =	vmul.f32 v10, v8;
	_ =	sdelay $0x1  }
0x2ce: {  	[tilespmem:v13+s13+$0x0] =	vst.idx.add.f32.msk $0xffff, v8  }
0x2cf: {  	v12 =	vld.idx.msk [tilespmem:v9+s29+$0x0], $0xffff  }
0x2d0: {  	v10 =	vor.u32 $0x2, v11;
	v9 =	vld.idx.msk [tilespmem:v9+s30+$0x0], $0xffff  }
0x2d1: {  	v8 =	vld.idx.msk [tilespmem:v7+s30+$0x0], $0xffff  }
0x2d2: {  	v7 =	vld.idx.msk [tilespmem:v7+s29+$0x0], $0xffff  }
0x2d3: {  	v13 =	vld.idx.msk [tilespmem:v11+s30+$0x0], $0xffff  }
0x2d4: {  	v14 =	vld.idx.msk [tilespmem:v11+s29+$0x0], $0xffff  }
0x2d5: {  	v15 =	vld.idx.msk [tilespmem:v10+s30+$0x0], $0xffff;
	v9 =	vmul.f32 v9, v12  }
0x2d6: {  	v10 =	vld.idx.msk [tilespmem:v10+s29+$0x0], $0xffff  }
0x2d7: {  	v7 =	vsub.f32 v7, v8;
	v8 =	vadd.f32 $9.999999960e-13, v9;
	_ =	sdelay $0x1  }
0x2d8: {  	v9 =	vsub.f32 v14, v13;
	v12 =	vshrl.u32 v8, $0x1;
	v13 =	vmul.f32 $5.000000000e-01, v8  }
0x2d9: {  	v7 =	vmul.f32 v7, v7;
	v12 =	vsub.s32 $0x5F3759DF, v12  }
0x2da: {  	v10 =	vsub.f32 v10, v15;
	v9 =	vmul.f32 v9, v9;
	v14 =	vmul.f32 v12, v13  }
0x2db: {  	v11 =	vor.u32 $0x4, v11  }
0x2dc: {  	v7 =	vadd.f32 v7, v9;
	v9 =	vmul.f32 v10, v10;
	v10 =	vmul.f32 v12, v14;
	_ =	sdelay $0x1  }
0x2dd: {  	v7 =	vadd.f32 v9, v7;
	v9 =	vsub.f32 $1.500000000e+00, v10;
	_ =	sdelay $0x1  }
0x2de: {  	v7 =	vadd.f32 $9.999999960e-13, v7;
	v10 =	vld.idx.msk [tilespmem:v11+s30+$0x0], $0xffff;
	v9 =	vmul.f32 v12, v9  }
0x2df: {  	v11 =	vld.idx.msk [tilespmem:v11+s29+$0x0], $0xffff  }
0x2e0: {  	v7 =	vmax.f32 v7, $2.500000000e-01;
	v12 =	vmul.f32 v9, v13  }
0x2e1: {  	v14 =	vmul.f32 v7, v7  }
0x2e2: {  	v12 =	vmul.f32 v12, v9  }
0x2e3: {  	v7 =	vmul.f32 v14, v7  }
0x2e4: {  	v10 =	vadd.f32 v10, v11;
	v12 =	vsub.f32 $1.500000000e+00, v12  }
0x2e5: {  	(erf) = vrcp.f32 v7  }
0x2e6: {  	v7 =	vmul.f32 v12, v9;
	v9 =	vmul.f32 $5.000000000e-01, v10;
	_ =	sdelay $0x1  }
0x2e7: {  	v9 =	vmul.f32 v9, v9  }
0x2e8: {  	v10 =	vmul.f32 v7, v13  }
0x2e9: {  	v11 =	vmul.f32 v9, v9  }
0x2ea: {  	v10 =	vmul.f32 v10, v7  }
0x2eb: {  	s5 =	sadd.s32 $0x10, s5  }
0x2ec: {  	v12 =	vld [tilespmem:s5+$0x0];
	v10 =	vsub.f32 $1.500000000e+00, v10;
	v9 =	vmul.f32 v11, v9  }
0x2ed: {  	v11 =	vpop (erf)  }
0x2ee: {  	v7 =	vmul.f32 v10, v7;
	v9 =	vmul.f32 v11, v9;
	_ =	sdelay $0x1  }
0x2ef: {  	v7 =	vmul.f32 v7, v8;
	v8 =	vmul.f32 v9, v9  }
0x2f0: {  	v10 =	vadd.s32 v6, v12  }
0x2f1: {  	v7 =	vmul.f32 $4.000000000e+00, v7;
	v8 =	vsub.f32 v8, v9;
	_ =	sdelay $0x1  }
0x2f2: {  	v7 =	vmul.f32 v7, v8;
	_ =	sdelay $0x1  }
0x2f3: {  	s8 =	simm.s32 $0x0;
	[tilespmem:v10+s13+$0x0] =	vst.idx.add.f32.msk $0xffff, v7  }
0x2f4: {  	v7 =	vld [tilespmem:s8+$0x76C0]  }
0x2f5: {  	v8 =	vld [tilespmem:s8+$0x7AC0];
	_ =	sdelay $0x1  }
0x2f6: {  	v9 =	vld [tilespmem:s8+$0x7EC0];
	_ =	sdelay $0x1  }
0x2f7: {  	v10 =	vld [tilespmem:s8+$0x82C0]  }
0x2f8: {  	v7 =	vadd.f32 v8, v7  }
0x2f9: {  	v8 =	vld [tilespmem:s8+$0x86C0]  }
0x2fa: {  	v7 =	vadd.f32 v9, v7  }
0x2fb: {  	v9 =	vld [tilespmem:s8+$0x8AC0]  }
0x2fc: {  	v7 =	vadd.f32 v10, v7  }
0x2fd: {  	v10 =	vld [tilespmem:s8+$0x8EC0]  }
0x2fe: {  	v7 =	vadd.f32 v8, v7  }
0x2ff: {  	v8 =	vld [tilespmem:s8+$0x92C0]  }
0x300: {  	s5 =	simm.s32 $0x10;
	v11 =	vld [tilespmem:s8+$0x96C0];
	v7 =	vadd.f32 v9, v7  }
0x301: {  	v12 =	vld [tilespmem:s5+$0x76C0]  }
0x302: {  	v9 =	vld [tilespmem:s8+$0x9AC0];
	v7 =	vadd.f32 v10, v7  }
0x303: {  	v10 =	vld [tilespmem:s5+$0x7AC0]  }
0x304: {  	v13 =	vld [tilespmem:s5+$0x7EC0];
	v7 =	vadd.f32 v8, v7  }
0x305: {  	v8 =	vld [tilespmem:s8+$0x9EC0]  }
0x306: {  	v14 =	vld [tilespmem:s5+$0x82C0];
	v7 =	vadd.f32 v11, v7  }
0x307: {  	v11 =	vld [tilespmem:s8+$0xA2C0]  }
0x308: {  	v10 =	vadd.f32 v10, v12;
	v12 =	vld [tilespmem:s5+$0x86C0];
	v7 =	vadd.f32 v9, v7  }
0x309: {  	v9 =	vld [tilespmem:s8+$0xA6C0]  }
0x30a: {  	v10 =	vadd.f32 v13, v10;
	v13 =	vld [tilespmem:s5+$0x8AC0];
	v7 =	vadd.f32 v8, v7  }
0x30b: {  	v8 =	vld [tilespmem:s8+$0xAAC0]  }
0x30c: {  	v15 =	vld [tilespmem:s5+$0x8EC0];
	v10 =	vadd.f32 v14, v10;
	v7 =	vadd.f32 v11, v7  }
0x30d: {  	v14 =	vld [tilespmem:s8+$0xAEC0]  }
0x30e: {  	v11 =	vadd.f32 v12, v10;
	v10 =	vld [tilespmem:s5+$0x92C0];
	v12 =	vadd.f32 v9, v7  }
0x30f: {  	v9 =	vld [tilespmem:s8+$0xB2C0]  }
0x310: {  	v7 =	vld [tilespmem:s5+$0x9AC0];
	v13 =	vadd.f32 v13, v11;
	v63 =	vadd.f32 v8, v12  }
0x311: {  	s18 =	simm.s32 $0x20;
	v11 =	vld [tilespmem:s5+$0x96C0]  }
0x312: {  	s19 =	simm.s32 $0xC0;
	v8 =	vld [tilespmem:s18+$0x76C0];
	v12 =	vadd.f32 v15, v13;
	v13 =	vadd.f32 v14, v63  }
.LBB2_16:
0x313: {  	p1 =	sne.s32 s19, $0xFC0;
	v14 =	vld [tilespmem:s18+$0x7AC0]  }
0x314: {  	v10 =	vadd.f32 v10, v12;
	v12 =	vld [tilespmem:s5+$0x9EC0];
	v9 =	vadd.f32 v9, v13  }
0x315: {  	v13 =	vld [tilespmem:s18+$0x7EC0]  }
0x316: {  	v10 =	vadd.f32 v11, v10;
	v11 =	vld [tilespmem:s5+$0xA2C0];
	[tilespmem:s8+$0xB6C0] =	vst v9;
	s8 =	smov.u32 s5;
	s5 =	smov.u32 s18  }
0x317: {  	v9 =	vld [tilespmem:s5+$0x82C0]  }
0x318: {  	v8 =	vadd.f32 v14, v8;
	v7 =	vadd.f32 v7, v10;
	v10 =	vld [tilespmem:s8+$0xA6C0]  }
0x319: {  	v14 =	vld [tilespmem:s5+$0x86C0]  }
0x31a: {  	v8 =	vadd.f32 v13, v8;
	v7 =	vadd.f32 v12, v7;
	v12 =	vld [tilespmem:s8+$0xAAC0]  }
0x31b: {  	v13 =	vld [tilespmem:s5+$0x8AC0]  }
0x31c: {  	v8 =	vadd.f32 v9, v8;
	v7 =	vadd.f32 v11, v7;
	v15 =	vld [tilespmem:s8+$0xAEC0]  }
0x31d: {  	v16 =	vld [tilespmem:s5+$0x8EC0]  }
.Ltmp7:
0x31e: {  	v8 =	vadd.f32 v14, v8;
	v11 =	vadd.f32 v10, v7;
	v9 =	vld [tilespmem:s8+$0xB2C0];
	(pc) =	sbr.rel @p1 .LBB2_16-.Ltmp7, $4  }
0x31f: {  	v10 =	vld [tilespmem:s5+$0x92C0]  }
0x320: {  	v13 =	vadd.f32 v13, v8;
	v7 =	vld [tilespmem:s5+$0x9AC0];
	v14 =	vadd.f32 v12, v11  }
0x321: {  	s18 =	sshra.s32 s19, $0x2;
	v11 =	vld [tilespmem:s5+$0x96C0]  }
0x322: {  	s19 =	sadd.s32 $0x40, s19;
	v8 =	vld [tilespmem:s18+$0x76C0];
	v12 =	vadd.f32 v16, v13;
	v13 =	vadd.f32 v15, v14  }
0x323: {  	v14 =	vld [tilespmem:s18+$0x7AC0]  }
0x324: {  	v15 =	vld [tilespmem:s5+$0x9EC0];
	v9 =	vadd.f32 v9, v13  }
0x325: {  	v49 =	vld [tilespmem:s18+$0x7EC0]  }
0x326: {  	v16 =	vld [tilespmem:s5+$0xA2C0];
	v10 =	vadd.f32 v10, v12;
	[tilespmem:s8+$0xB6C0] =	vst v9  }
0x327: {  	v9 =	vld [tilespmem:s18+$0x82C0]  }
0x328: {  	v10 =	vadd.f32 v11, v10;
	v8 =	vadd.f32 v14, v8  }
0x329: {  	v50 =	vld [tilespmem:s18+$0x86C0]  }
0x32a: {  	v51 =	vld [tilespmem:s5+$0xA6C0];
	v7 =	vadd.f32 v7, v10;
	v8 =	vadd.f32 v49, v8  }
0x32b: {  	v52 =	vld [tilespmem:s18+$0x8AC0]  }
0x32c: {  	v53 =	vld [tilespmem:s5+$0xAAC0];
	v7 =	vadd.f32 v15, v7;
	v8 =	vadd.f32 v9, v8  }
0x32d: {  	v54 =	vld [tilespmem:s18+$0x8EC0]  }
0x32e: {  	v55 =	vld [tilespmem:s5+$0xAEC0];
	v7 =	vadd.f32 v16, v7;
	v8 =	vadd.f32 v50, v8  }
0x32f: {  	v56 =	vld [tilespmem:s18+$0x92C0]  }
0x330: {  	v57 =	vld [tilespmem:s5+$0xB2C0];
	v7 =	vadd.f32 v51, v7;
	v8 =	vadd.f32 v52, v8  }
0x331: {  	v58 =	vld [tilespmem:s18+$0x96C0]  }
0x332: {  	v7 =	vadd.f32 v53, v7;
	v8 =	vadd.f32 v54, v8  }
0x333: {  	v59 =	vld [tilespmem:s18+$0x9AC0]  }
0x334: {  	v7 =	vadd.f32 v55, v7;
	v8 =	vadd.f32 v56, v8  }
0x335: {  	v60 =	vld [tilespmem:s18+$0x9EC0]  }
0x336: {  	v7 =	vadd.f32 v57, v7;
	v8 =	vadd.f32 v58, v8  }
0x337: {  	v61 =	vld [tilespmem:s18+$0xA2C0]  }
0x338: {  	[tilespmem:s5+$0xB6C0] =	vst v7;
	v7 =	vadd.f32 v59, v8  }
0x339: {  	v8 =	vld [tilespmem:s18+$0xA6C0]  }
0x33a: {  	v7 =	vadd.f32 v60, v7  }
0x33b: {  	v62 =	vld [tilespmem:s18+$0xAAC0]  }
0x33c: {  	v7 =	vadd.f32 v61, v7  }
0x33d: {  	v63 =	vld [tilespmem:s18+$0xAEC0]  }
0x33e: {  	v7 =	vadd.f32 v8, v7  }
0x33f: {  	v8 =	vld [tilespmem:s18+$0xB2C0]  }
0x340: {  	v7 =	vadd.f32 v62, v7;
	_ =	sdelay $0x1  }
0x341: {  	v7 =	vadd.f32 v63, v7;
	_ =	sdelay $0x1  }
0x342: {  	v7 =	vadd.f32 v8, v7  }
0x343: {  	s22 =	simm.s32 $0xBAC0  }
0x344: {  	s19 =	simm.s32 $0xB6C0;
	s8 =	simm.s32 $0x40;
	[tilespmem:s18+$0xB6C0] =	vst v7;
	s18 =	rddreg [dreg:$0x6]  }
0x345: {  	[spmem:s18] =	stream.indirect.scatter.add.f32 [tilespmem:s19], [sflag:$0x7], $0x10, s22, s8, $0xb8;
	[tilespmem:$0x17E90] =	vst v63  }
0x346: {  	_ =	swait.ge [sflag:s20], $0x400  }
0x347: {  	[sflag:s20] =	ssyncset.done $0x0  }
0x348: {  	[sflag:s20] =	ssyncadd.s32 $0xFFFFFC00  }
0x349: {  	[bflag:$0x0] =	sbarrier.arrive $0xFFFF  }
0x34a: {  	s19 =	rddreg [dreg:$0x9]  }
0x34b: {  	s5 =	sshrl.u32 @!p0 s18, $0x3;
	s8 =	rddreg [dreg:$0x13]  }
0x34c: {  	[hbm:s8], [sflag:s19] =	dma.local @!p0 [spmem:s5], $0x80  }
0x34d: {  	s5 =	simm.s32 @!p0 $0x7  }
0x34e: {  	_ =	swait.ge @!p0 [sflag:s5], $0x80  }
0x34f: {  	s21 =	sadd.s32 $0x1, s21;
	s23 =	rddreg [dreg:$0x14]  }
0x350: {  	p1 =	sne.s32 s21, s23  }
.Ltmp8:
0x351: {  	_ = 	snop;
	(pc) =	sbr.rel @p1 .LBB2_1-.Ltmp8, $3  }
0x352: {  	_ =	sdelay $0x1  }
0x353: {  	[sflag:s5] =	ssyncset.done @!p0 $0x0  }
0x354: {  	[sflag:s5] =	ssyncadd.s32 @!p0 $0xFFFFFF80  }
0x355: {  	_ =	sfence.sel $0x180000  }
0x356: {  	[bflag:$0x0] =	sbarrier.arrive $0xFFFF  }
0x357: {  	_ =	strace $0x90000047  }
0x358: {  	[bflag:$0x2] =	sbarrier.arrive $0xFFFF  }
0x359: {  	s0 =	rddreg [dreg:$0x7]  }
0x35a: {  	s0 =	sadd.s32 @!p0 $0x100000, s0  }
0x35b: {  	[sflag:s0] =	ssyncadd.tile.s32 @!p0 $0x1;
	_ =	shalt  }
.Lfunc_end2:
_tile_overlayer_lowered:
.L_overlay_start_2:
0x35c: {  	(tag) =	ssettag $0x2  }
0x35d: {  	s0 =	rddreg [dreg:$0x0];
	s2 =	stileid.u32  }
0x35e: {  	s1 =	rddreg [dreg:$0x1];
	p0 =	sne.s32 s2, $0x0  }
0x35f: {  	s3 =	rddreg [dreg:$0x2];
	[bflag:$0x3] =	sbarrier.arrive $0xFFFF;
	s2 =	simm.s32 @!p0 $0x1C07  }
0x360: {  	[timem:s3], [sflag:s2] =	dma.local @!p0 [hbm:s0], s1  }
0x361: {  	s0 =	simm.s32 @!p0 $0x7  }
0x362: {  	_ =	swait.ge @!p0 [sflag:s0], s1  }
0x363: {  	s1 =	ssub.s32 @!p0 $0x0, s1;
	[sflag:s0] =	ssyncset.done @!p0 $0x0  }
0x364: {  	[sflag:s0] =	ssyncadd.s32 @!p0 s1  }
0x365: {  	[bflag:$0x3] =	sbarrier.arrive $0xFFFF  }
0x366: {  	_ =	shalt  }

</sc_bundles>
